<compile_context>
chip_gen: v7x
topology: tpu7x:2x2x1
jax: 0.10.2.dev20260603
libtpu: 0.0.44.dev20260713+nightly
codegen_flags: <defaults>
</compile_context>

<pallas_src>
import functools

import jax
import jax.numpy as jnp
from jax import lax
from jax.experimental import pallas as pl
from jax.experimental.pallas import tpu as pltpu
from jax.experimental.pallas import tpu_sc as plsc

NC = 2
NS = 16
NW = NC * NS
L = 16


@functools.partial(jax.jit, static_argnames=("chunk_rows",))
def _sc_lookup_sum(zt, w_pad, chunk_rows):
    n_rows, n_cols = zt.shape
    cols_per_worker = n_cols // NW
    n_chunks = n_rows // chunk_rows
    mesh = plsc.VectorSubcoreMesh(
        core_axis_name="c", subcore_axis_name="s", num_cores=NC, num_subcores=NS
    )

    @functools.partial(
        pl.kernel,
        out_type=jax.ShapeDtypeStruct((NW * L,), jnp.float32),
        mesh=mesh,
        compiler_params=pltpu.CompilerParams(
            needs_layout_passes=False,
            use_tc_tiling_on_sc=True,
        ),
        scratch_types=[
            pltpu.VMEM((128 * 128,), jnp.float32),
            pltpu.VMEM((chunk_rows, cols_per_worker), jnp.int32),
            pltpu.VMEM((chunk_rows, cols_per_worker), jnp.int32),
            pltpu.VMEM((L,), jnp.float32),
            pltpu.SemaphoreType.DMA,
            pltpu.SemaphoreType.DMA,
        ],
    )
    def k(z_hbm, w_hbm, out_hbm, tbl_v, buf0, buf1, acc_v, sem0, sem1):
        wid = lax.axis_index("s") * NC + lax.axis_index("c")
        col0 = wid * cols_per_worker

        bufs = (buf0, buf1)
        sems = (sem0, sem1)
        copies = [
            pltpu.async_copy(
                z_hbm.at[
                    pl.ds(c * chunk_rows, chunk_rows),
                    pl.ds(col0, cols_per_worker),
                ],
                bufs[c % 2],
                sems[c % 2],
            )
            for c in range(min(2, n_chunks))
        ]

        pltpu.sync_copy(w_hbm, tbl_v)

        half = cols_per_worker // 2
        pairs = half // (2 * L)

        def load_half(buf, r, c0):
            out = []
            for k in range(pairs):
                ia = buf[r, pl.ds(c0 + 2 * k * L, L)]
                ib = buf[r, pl.ds(c0 + (2 * k + 1) * L, L)]
                out.append(ia * 128 + ib)
            return tuple(out)

        zero = jnp.zeros((L,), jnp.float32)
        accs = (zero,) * 4
        n_halves = 2 * chunk_rows
        for c in range(n_chunks):
            buf = bufs[c % 2]
            copies[c].wait()

            idx8 = load_half(buf, 0, 0)

            def body(h, carry, buf=buf):
                idx8, a = carry
                a = list(a)
                for k in range(pairs):
                    a[k % 4] = a[k % 4] + plsc.load_gather(tbl_v, [idx8[k]])
                hn = h + 1
                r = lax.shift_right_logical(hn, 1)
                c0 = lax.shift_left(jnp.bitwise_and(hn, 1), 8)
                return (load_half(buf, r, c0), tuple(a))

            idx8, accs = lax.fori_loop(0, n_halves - 1, body, (idx8, accs))
            accs = list(accs)
            for k in range(pairs):
                accs[k % 4] = accs[k % 4] + plsc.load_gather(tbl_v, [idx8[k]])
            accs = tuple(accs)

            nxt = c + 2
            if nxt < n_chunks:
                copies.append(
                    pltpu.async_copy(
                        z_hbm.at[
                            pl.ds(nxt * chunk_rows, chunk_rows),
                            pl.ds(col0, cols_per_worker),
                        ],
                        bufs[nxt % 2],
                        sems[nxt % 2],
                    )
                )

        acc_v[...] = (accs[0] + accs[1]) + (accs[2] + accs[3])
        pltpu.sync_copy(acc_v, out_hbm.at[pl.ds(wid * L, L)])

    return k(zt, w_pad)


def kernel(Z, ref_weight):
    w_pad = jnp.zeros((128,), jnp.float32).at[: ref_weight.shape[0]].set(
        ref_weight.reshape(-1)
    )
    w_pair = (w_pad[:, None] + w_pad[None, :]).reshape(128 * 128)
    partials = _sc_lookup_sum(Z.T, w_pair, 40)
    return jnp.sum(partials)

# --- scband reference (transcript-rebuilt; emitter-appended) ---
"""Pipeline reference for scband-atom-ref-energy-15427522527380 (READ-ONLY COPY).

The authoritative reference and input builder live on the scoring server;
editing this copy changes nothing except your own understanding.
"""

import jax, jax.numpy as jnp
import numpy as np


def setup_inputs(seed: int = 0) -> dict:
    key = jax.random.key(seed)
    kZ, = jax.random.split(key, 1)
    Z = jax.random.randint(kZ, (16384, 200), 0, 119, dtype=jnp.int64 if jax.config.read('jax_enable_x64') else jnp.int32).astype(jnp.int32)
    # Learned per-element reference energies; torch module zero-initializes (nn.init.zeros_)
    ref_weight = jnp.zeros((119, 1), dtype=jnp.float32)
    return {"Z": Z, "ref_weight": ref_weight}


def reference(Z, ref_weight):
    # Faithful translation of: self.ref(Z).sum()
    # nn.Embedding lookup -> gather rows, then full sum reduction to a scalar.
    gathered = jnp.take(ref_weight, Z, axis=0)  # [B, L, 1]
    return gathered.sum()

if __name__ == "__main__":
    import jax
    _d = setup_inputs()
    print(jax.jit(kernel)(*tuple(_d.values())))

</pallas_src>

<mosaic_0001>
#map = affine_map<(d0, d1) -> (0, 0)>
#map1 = affine_map<(d0, d1) -> (0)>
module attributes {stable_mosaic.version = 14 : i64} {
  func.func @k(%arg0: i32, %arg1: i32, %arg2: memref<200x16384xi32, #tpu.memory_space<hbm>>, %arg3: memref<16384xf32, #tpu.memory_space<hbm>>, %arg4: memref<512xf32, #tpu.memory_space<hbm>>, %arg5: memref<16384xf32, #tpu.memory_space<vmem>>, %arg6: memref<40x512xi32, #tpu.memory_space<vmem>>, %arg7: memref<40x512xi32, #tpu.memory_space<vmem>>, %arg8: memref<16xf32, #tpu.memory_space<vmem>>, %arg9: memref<!tpu.dma_semaphore, #tpu.memory_space<semaphore_mem>>, %arg10: memref<!tpu.dma_semaphore, #tpu.memory_space<semaphore_mem>>) attributes {dimension_semantics = [#tpu.dimension_semantics<core_parallel>, #tpu.dimension_semantics<subcore_parallel>], iteration_bounds = array<i64: 2, 16>, scalar_prefetch = 0 : i64, scratch_operands = 6 : i64, tpu.core_type = #tpu.core_type<sc_vector_subcore>, window_params = [{transform_indices = #map}, {transform_indices = #map1}, {transform_indices = #map1}]} {
    %mul3A = arith.constant 2 : i32
    %mul3A_0 = arith.muli %arg1, %mul3A : i32
    %add3A = arith.addi %mul3A_0, %arg0 : i32
    %mul3A_1 = arith.constant 512 : i32
    %mul3A_2 = arith.muli %add3A, %mul3A_1 : i32
    %dma_start3A = arith.constant 0 : i32
    %dma_start3A_3 = tpu.memref_slice %arg2[%dma_start3A, %mul3A_2] : memref<200x16384xi32, #tpu.memory_space<hbm>> -> memref<40x512xi32, #tpu.memory_space<hbm>>
    %dma_start3A_4 = arith.constant 0 : i32
    %dma_start3A_5 = tpu.memref_slice %arg2[%dma_start3A_4, %mul3A_2] : memref<200x16384xi32, #tpu.memory_space<hbm>> -> memref<40x512xi32, #tpu.memory_space<hbm>>
    tpu.enqueue_dma source(%dma_start3A_5 : memref<40x512xi32, #tpu.memory_space<hbm>>) target(%arg6 : memref<40x512xi32, #tpu.memory_space<vmem>>) target_semaphore(%arg9 : memref<!tpu.dma_semaphore, #tpu.memory_space<semaphore_mem>>)
    %dma_start3A_6 = arith.constant 40 : i32
    %dma_start3A_7 = tpu.memref_slice %arg2[%dma_start3A_6, %mul3A_2] : memref<200x16384xi32, #tpu.memory_space<hbm>> -> memref<40x512xi32, #tpu.memory_space<hbm>>
    %dma_start3A_8 = arith.constant 40 : i32
    %dma_start3A_9 = tpu.memref_slice %arg2[%dma_start3A_8, %mul3A_2] : memref<200x16384xi32, #tpu.memory_space<hbm>> -> memref<40x512xi32, #tpu.memory_space<hbm>>
    tpu.enqueue_dma source(%dma_start3A_9 : memref<40x512xi32, #tpu.memory_space<hbm>>) target(%arg7 : memref<40x512xi32, #tpu.memory_space<vmem>>) target_semaphore(%arg10 : memref<!tpu.dma_semaphore, #tpu.memory_space<semaphore_mem>>)
    "tpu.region"() ({
      %run_scoped3A = tpu.sem_alloc : memref<!tpu.dma_semaphore, #tpu.memory_space<semaphore_mem>>
      tpu.enqueue_dma source(%arg3 : memref<16384xf32, #tpu.memory_space<hbm>>) target(%arg5 : memref<16384xf32, #tpu.memory_space<vmem>>) target_semaphore(%run_scoped3A : memref<!tpu.dma_semaphore, #tpu.memory_space<semaphore_mem>>)
      tpu.wait_dma2 semaphore(%run_scoped3A : memref<!tpu.dma_semaphore, #tpu.memory_space<semaphore_mem>>) src(%arg3 : memref<16384xf32, #tpu.memory_space<hbm>>) dst(%arg5 : memref<16384xf32, #tpu.memory_space<vmem>>)
      tpu.yield
    }) : () -> ()
    %broadcast_in_dim3A = arith.constant 0.000000e+00 : f32
    %broadcast_in_dim3A_10 = vector.broadcast %broadcast_in_dim3A : f32 to vector<16xf32>
    %dma_wait3A = arith.constant 0 : i32
    %dma_wait3A_11 = tpu.memref_slice %arg2[%dma_wait3A, %mul3A_2] : memref<200x16384xi32, #tpu.memory_space<hbm>> -> memref<40x512xi32, #tpu.memory_space<hbm>>
    %dma_wait3A_12 = arith.constant 0 : i32
    %dma_wait3A_13 = tpu.memref_slice %arg2[%dma_wait3A_12, %mul3A_2] : memref<200x16384xi32, #tpu.memory_space<hbm>> -> memref<40x512xi32, #tpu.memory_space<hbm>>
    tpu.wait_dma2 semaphore(%arg9 : memref<!tpu.dma_semaphore, #tpu.memory_space<semaphore_mem>>) src(%dma_wait3A_13 : memref<40x512xi32, #tpu.memory_space<hbm>>) dst(%arg6 : memref<40x512xi32, #tpu.memory_space<vmem>>)
    %get3A = arith.constant 0 : i32
    %get3A_14 = arith.index_cast %get3A : i32 to index
    %get3A_15 = arith.constant 0 : index
    %get3A_16 = tpu.vector_load %arg6[%get3A_14, %get3A_15] {strides = array<i32>} : memref<40x512xi32, #tpu.memory_space<vmem>>, vector<16xi32>,
    %get3A_17 = arith.constant 0 : i32
    %get3A_18 = arith.index_cast %get3A_17 : i32 to index
    %get3A_19 = arith.constant 16 : index
    %get3A_20 = tpu.vector_load %arg6[%get3A_18, %get3A_19] {strides = array<i32>} : memref<40x512xi32, #tpu.memory_space<vmem>>, vector<16xi32>,
    %mul3A_21 = arith.constant 128 : i32
    %mul3A_22 = vector.broadcast %mul3A_21 : i32 to vector<16xi32>
    %mul3A_23 = arith.muli %get3A_16, %mul3A_22 : vector<16xi32>
    %add3A_24 = arith.addi %mul3A_23, %get3A_20 : vector<16xi32>
    %get3A_25 = arith.constant 0 : i32
    %get3A_26 = arith.index_cast %get3A_25 : i32 to index
    %get3A_27 = arith.constant 32 : index
    %get3A_28 = tpu.vector_load %arg6[%get3A_26, %get3A_27] {strides = array<i32>} : memref<40x512xi32, #tpu.memory_space<vmem>>, vector<16xi32>,
    %get3A_29 = arith.constant 0 : i32
    %get3A_30 = arith.index_cast %get3A_29 : i32 to index
    %get3A_31 = arith.constant 48 : index
    %get3A_32 = tpu.vector_load %arg6[%get3A_30, %get3A_31] {strides = array<i32>} : memref<40x512xi32, #tpu.memory_space<vmem>>, vector<16xi32>,
    %mul3A_33 = arith.constant 128 : i32
    %mul3A_34 = vector.broadcast %mul3A_33 : i32 to vector<16xi32>
    %mul3A_35 = arith.muli %get3A_28, %mul3A_34 : vector<16xi32>
    %add3A_36 = arith.addi %mul3A_35, %get3A_32 : vector<16xi32>
    %get3A_37 = arith.constant 0 : i32
    %get3A_38 = arith.index_cast %get3A_37 : i32 to index
    %get3A_39 = arith.constant 64 : index
    %get3A_40 = tpu.vector_load %arg6[%get3A_38, %get3A_39] {strides = array<i32>} : memref<40x512xi32, #tpu.memory_space<vmem>>, vector<16xi32>,
    %get3A_41 = arith.constant 0 : i32
    %get3A_42 = arith.index_cast %get3A_41 : i32 to index
    %get3A_43 = arith.constant 80 : index
    %get3A_44 = tpu.vector_load %arg6[%get3A_42, %get3A_43] {strides = array<i32>} : memref<40x512xi32, #tpu.memory_space<vmem>>, vector<16xi32>,
    %mul3A_45 = arith.constant 128 : i32
    %mul3A_46 = vector.broadcast %mul3A_45 : i32 to vector<16xi32>
    %mul3A_47 = arith.muli %get3A_40, %mul3A_46 : vector<16xi32>
    %add3A_48 = arith.addi %mul3A_47, %get3A_44 : vector<16xi32>
    %get3A_49 = arith.constant 0 : i32
    %get3A_50 = arith.index_cast %get3A_49 : i32 to index
    %get3A_51 = arith.constant 96 : index
    %get3A_52 = tpu.vector_load %arg6[%get3A_50, %get3A_51] {strides = array<i32>} : memref<40x512xi32, #tpu.memory_space<vmem>>, vector<16xi32>,
    %get3A_53 = arith.constant 0 : i32
    %get3A_54 = arith.index_cast %get3A_53 : i32 to index
    %get3A_55 = arith.constant 112 : index
    %get3A_56 = tpu.vector_load %arg6[%get3A_54, %get3A_55] {strides = array<i32>} : memref<40x512xi32, #tpu.memory_space<vmem>>, vector<16xi32>,
    %mul3A_57 = arith.constant 128 : i32
    %mul3A_58 = vector.broadcast %mul3A_57 : i32 to vector<16xi32>
    %mul3A_59 = arith.muli %get3A_52, %mul3A_58 : vector<16xi32>
    %add3A_60 = arith.addi %mul3A_59, %get3A_56 : vector<16xi32>
    %get3A_61 = arith.constant 0 : i32
    %get3A_62 = arith.index_cast %get3A_61 : i32 to index
    %get3A_63 = arith.constant 128 : index
    %get3A_64 = tpu.vector_load %arg6[%get3A_62, %get3A_63] {strides = array<i32>} : memref<40x512xi32, #tpu.memory_space<vmem>>, vector<16xi32>,
    %get3A_65 = arith.constant 0 : i32
    %get3A_66 = arith.index_cast %get3A_65 : i32 to index
    %get3A_67 = arith.constant 144 : index
    %get3A_68 = tpu.vector_load %arg6[%get3A_66, %get3A_67] {strides = array<i32>} : memref<40x512xi32, #tpu.memory_space<vmem>>, vector<16xi32>,
    %mul3A_69 = arith.constant 128 : i32
    %mul3A_70 = vector.broadcast %mul3A_69 : i32 to vector<16xi32>
    %mul3A_71 = arith.muli %get3A_64, %mul3A_70 : vector<16xi32>
    %add3A_72 = arith.addi %mul3A_71, %get3A_68 : vector<16xi32>
    %get3A_73 = arith.constant 0 : i32
    %get3A_74 = arith.index_cast %get3A_73 : i32 to index
    %get3A_75 = arith.constant 160 : index
    %get3A_76 = tpu.vector_load %arg6[%get3A_74, %get3A_75] {strides = array<i32>} : memref<40x512xi32, #tpu.memory_space<vmem>>, vector<16xi32>,
    %get3A_77 = arith.constant 0 : i32
    %get3A_78 = arith.index_cast %get3A_77 : i32 to index
    %get3A_79 = arith.constant 176 : index
    %get3A_80 = tpu.vector_load %arg6[%get3A_78, %get3A_79] {strides = array<i32>} : memref<40x512xi32, #tpu.memory_space<vmem>>, vector<16xi32>,
    %mul3A_81 = arith.constant 128 : i32
    %mul3A_82 = vector.broadcast %mul3A_81 : i32 to vector<16xi32>
    %mul3A_83 = arith.muli %get3A_76, %mul3A_82 : vector<16xi32>
    %add3A_84 = arith.addi %mul3A_83, %get3A_80 : vector<16xi32>
    %get3A_85 = arith.constant 0 : i32
    %get3A_86 = arith.index_cast %get3A_85 : i32 to index
    %get3A_87 = arith.constant 192 : index
    %get3A_88 = tpu.vector_load %arg6[%get3A_86, %get3A_87] {strides = array<i32>} : memref<40x512xi32, #tpu.memory_space<vmem>>, vector<16xi32>,
    %get3A_89 = arith.constant 0 : i32
    %get3A_90 = arith.index_cast %get3A_89 : i32 to index
    %get3A_91 = arith.constant 208 : index
    %get3A_92 = tpu.vector_load %arg6[%get3A_90, %get3A_91] {strides = array<i32>} : memref<40x512xi32, #tpu.memory_space<vmem>>, vector<16xi32>,
    %mul3A_93 = arith.constant 128 : i32
    %mul3A_94 = vector.broadcast %mul3A_93 : i32 to vector<16xi32>
    %mul3A_95 = arith.muli %get3A_88, %mul3A_94 : vector<16xi32>
    %add3A_96 = arith.addi %mul3A_95, %get3A_92 : vector<16xi32>
    %get3A_97 = arith.constant 0 : i32
    %get3A_98 = arith.index_cast %get3A_97 : i32 to index
    %get3A_99 = arith.constant 224 : index
    %get3A_100 = tpu.vector_load %arg6[%get3A_98, %get3A_99] {strides = array<i32>} : memref<40x512xi32, #tpu.memory_space<vmem>>, vector<16xi32>,
    %get3A_101 = arith.constant 0 : i32
    %get3A_102 = arith.index_cast %get3A_101 : i32 to index
    %get3A_103 = arith.constant 240 : index
    %get3A_104 = tpu.vector_load %arg6[%get3A_102, %get3A_103] {strides = array<i32>} : memref<40x512xi32, #tpu.memory_space<vmem>>, vector<16xi32>,
    %mul3A_105 = arith.constant 128 : i32
    %mul3A_106 = vector.broadcast %mul3A_105 : i32 to vector<16xi32>
    %mul3A_107 = arith.muli %get3A_100, %mul3A_106 : vector<16xi32>
    %add3A_108 = arith.addi %mul3A_107, %get3A_104 : vector<16xi32>
    %scan3A = arith.constant 0 : i32
    %scan3A_109 = arith.constant 79 : i32
    %scan3A_110 = arith.addi %scan3A, %scan3A_109 : i32
    %scan3A_111 = arith.constant 1 : i32
    %scan3A_112:12 = scf.for %scan3A_635 = %scan3A to %scan3A_110 step %scan3A_111 iter_args(%scan3A_636 = %add3A_24, %scan3A_637 = %add3A_36, %scan3A_638 = %add3A_48, %scan3A_639 = %add3A_60, %scan3A_640 = %add3A_72, %scan3A_641 = %add3A_84, %scan3A_642 = %add3A_96, %scan3A_643 = %add3A_108, %scan3A_644 = %broadcast_in_dim3A_10, %scan3A_645 = %broadcast_in_dim3A_10, %scan3A_646 = %broadcast_in_dim3A_10, %scan3A_647 = %broadcast_in_dim3A_10) -> (vector<16xi32>, vector<16xi32>, vector<16xi32>, vector<16xi32>, vector<16xi32>, vector<16xi32>, vector<16xi32>, vector<16xi32>, vector<16xf32>, vector<16xf32>, vector<16xf32>, vector<16xf32>)  : i32 {
      %gather3A_648 = tpu.vector_load_idx %arg5[%scan3A_636] : memref<16384xf32, #tpu.memory_space<vmem>>[vector<16xi32>], vector<16xf32>,
      %add3A_649 = arith.addf %scan3A_644, %gather3A_648 : vector<16xf32>
      %gather3A_650 = tpu.vector_load_idx %arg5[%scan3A_637] : memref<16384xf32, #tpu.memory_space<vmem>>[vector<16xi32>], vector<16xf32>,
      %add3A_651 = arith.addf %scan3A_645, %gather3A_650 : vector<16xf32>
      %gather3A_652 = tpu.vector_load_idx %arg5[%scan3A_638] : memref<16384xf32, #tpu.memory_space<vmem>>[vector<16xi32>], vector<16xf32>,
      %add3A_653 = arith.addf %scan3A_646, %gather3A_652 : vector<16xf32>
      %gather3A_654 = tpu.vector_load_idx %arg5[%scan3A_639] : memref<16384xf32, #tpu.memory_space<vmem>>[vector<16xi32>], vector<16xf32>,
      %add3A_655 = arith.addf %scan3A_647, %gather3A_654 : vector<16xf32>
      %gather3A_656 = tpu.vector_load_idx %arg5[%scan3A_640] : memref<16384xf32, #tpu.memory_space<vmem>>[vector<16xi32>], vector<16xf32>,
      %add3A_657 = arith.addf %add3A_649, %gather3A_656 : vector<16xf32>
      %gather3A_658 = tpu.vector_load_idx %arg5[%scan3A_641] : memref<16384xf32, #tpu.memory_space<vmem>>[vector<16xi32>], vector<16xf32>,
      %add3A_659 = arith.addf %add3A_651, %gather3A_658 : vector<16xf32>
      %gather3A_660 = tpu.vector_load_idx %arg5[%scan3A_642] : memref<16384xf32, #tpu.memory_space<vmem>>[vector<16xi32>], vector<16xf32>,
      %add3A_661 = arith.addf %add3A_653, %gather3A_660 : vector<16xf32>
      %gather3A_662 = tpu.vector_load_idx %arg5[%scan3A_643] : memref<16384xf32, #tpu.memory_space<vmem>>[vector<16xi32>], vector<16xf32>,
      %add3A_663 = arith.addf %add3A_655, %gather3A_662 : vector<16xf32>
      %add3A_664 = arith.constant 1 : i32
      %add3A_665 = arith.addi %scan3A_635, %add3A_664 : i32
      %shift_right_logical3A = arith.constant 1 : i32
      %shift_right_logical3A_666 = arith.shrui %add3A_665, %shift_right_logical3A : i32
      %and3A = arith.constant 1 : i32
      %and3A_667 = arith.andi %add3A_665, %and3A : i32
      %shift_left3A = arith.constant 8 : i32
      %shift_left3A_668 = arith.shli %and3A_667, %shift_left3A : i32
      %add3A_669 = arith.constant 0 : i32
      %add3A_670 = arith.addi %shift_left3A_668, %add3A_669 : i32
      %get3A_671 = arith.index_cast %shift_right_logical3A_666 : i32 to index
      %get3A_672 = arith.index_cast %add3A_670 : i32 to index
      %get3A_673 = tpu.vector_load %arg6[%get3A_671, %get3A_672] {strides = array<i32>} : memref<40x512xi32, #tpu.memory_space<vmem>>, vector<16xi32>,
      %add3A_674 = arith.constant 16 : i32
      %add3A_675 = arith.addi %shift_left3A_668, %add3A_674 : i32
      %get3A_676 = arith.index_cast %shift_right_logical3A_666 : i32 to index
      %get3A_677 = arith.index_cast %add3A_675 : i32 to index
      %get3A_678 = tpu.vector_load %arg6[%get3A_676, %get3A_677] {strides = array<i32>} : memref<40x512xi32, #tpu.memory_space<vmem>>, vector<16xi32>,
      %mul3A_679 = arith.constant 128 : i32
      %mul3A_680 = vector.broadcast %mul3A_679 : i32 to vector<16xi32>
      %mul3A_681 = arith.muli %get3A_673, %mul3A_680 : vector<16xi32>
      %add3A_682 = arith.addi %mul3A_681, %get3A_678 : vector<16xi32>
      %add3A_683 = arith.constant 32 : i32
      %add3A_684 = arith.addi %shift_left3A_668, %add3A_683 : i32
      %get3A_685 = arith.index_cast %shift_right_logical3A_666 : i32 to index
      %get3A_686 = arith.index_cast %add3A_684 : i32 to index
      %get3A_687 = tpu.vector_load %arg6[%get3A_685, %get3A_686] {strides = array<i32>} : memref<40x512xi32, #tpu.memory_space<vmem>>, vector<16xi32>,
      %add3A_688 = arith.constant 48 : i32
      %add3A_689 = arith.addi %shift_left3A_668, %add3A_688 : i32
      %get3A_690 = arith.index_cast %shift_right_logical3A_666 : i32 to index
      %get3A_691 = arith.index_cast %add3A_689 : i32 to index
      %get3A_692 = tpu.vector_load %arg6[%get3A_690, %get3A_691] {strides = array<i32>} : memref<40x512xi32, #tpu.memory_space<vmem>>, vector<16xi32>,
      %mul3A_693 = arith.constant 128 : i32
      %mul3A_694 = vector.broadcast %mul3A_693 : i32 to vector<16xi32>
      %mul3A_695 = arith.muli %get3A_687, %mul3A_694 : vector<16xi32>
      %add3A_696 = arith.addi %mul3A_695, %get3A_692 : vector<16xi32>
      %add3A_697 = arith.constant 64 : i32
      %add3A_698 = arith.addi %shift_left3A_668, %add3A_697 : i32
      %get3A_699 = arith.index_cast %shift_right_logical3A_666 : i32 to index
      %get3A_700 = arith.index_cast %add3A_698 : i32 to index
      %get3A_701 = tpu.vector_load %arg6[%get3A_699, %get3A_700] {strides = array<i32>} : memref<40x512xi32, #tpu.memory_space<vmem>>, vector<16xi32>,
      %add3A_702 = arith.constant 80 : i32
      %add3A_703 = arith.addi %shift_left3A_668, %add3A_702 : i32
      %get3A_704 = arith.index_cast %shift_right_logical3A_666 : i32 to index
      %get3A_705 = arith.index_cast %add3A_703 : i32 to index
      %get3A_706 = tpu.vector_load %arg6[%get3A_704, %get3A_705] {strides = array<i32>} : memref<40x512xi32, #tpu.memory_space<vmem>>, vector<16xi32>,
      %mul3A_707 = arith.constant 128 : i32
      %mul3A_708 = vector.broadcast %mul3A_707 : i32 to vector<16xi32>
      %mul3A_709 = arith.muli %get3A_701, %mul3A_708 : vector<16xi32>
      %add3A_710 = arith.addi %mul3A_709, %get3A_706 : vector<16xi32>
      %add3A_711 = arith.constant 96 : i32
      %add3A_712 = arith.addi %shift_left3A_668, %add3A_711 : i32
      %get3A_713 = arith.index_cast %shift_right_logical3A_666 : i32 to index
      %get3A_714 = arith.index_cast %add3A_712 : i32 to index
      %get3A_715 = tpu.vector_load %arg6[%get3A_713, %get3A_714] {strides = array<i32>} : memref<40x512xi32, #tpu.memory_space<vmem>>, vector<16xi32>,
      %add3A_716 = arith.constant 112 : i32
      %add3A_717 = arith.addi %shift_left3A_668, %add3A_716 : i32
      %get3A_718 = arith.index_cast %shift_right_logical3A_666 : i32 to index
      %get3A_719 = arith.index_cast %add3A_717 : i32 to index
      %get3A_720 = tpu.vector_load %arg6[%get3A_718, %get3A_719] {strides = array<i32>} : memref<40x512xi32, #tpu.memory_space<vmem>>, vector<16xi32>,
      %mul3A_721 = arith.constant 128 : i32
      %mul3A_722 = vector.broadcast %mul3A_721 : i32 to vector<16xi32>
      %mul3A_723 = arith.muli %get3A_715, %mul3A_722 : vector<16xi32>
      %add3A_724 = arith.addi %mul3A_723, %get3A_720 : vector<16xi32>
      %add3A_725 = arith.constant 128 : i32
      %add3A_726 = arith.addi %shift_left3A_668, %add3A_725 : i32
      %get3A_727 = arith.index_cast %shift_right_logical3A_666 : i32 to index
      %get3A_728 = arith.index_cast %add3A_726 : i32 to index
      %get3A_729 = tpu.vector_load %arg6[%get3A_727, %get3A_728] {strides = array<i32>} : memref<40x512xi32, #tpu.memory_space<vmem>>, vector<16xi32>,
      %add3A_730 = arith.constant 144 : i32
      %add3A_731 = arith.addi %shift_left3A_668, %add3A_730 : i32
      %get3A_732 = arith.index_cast %shift_right_logical3A_666 : i32 to index
      %get3A_733 = arith.index_cast %add3A_731 : i32 to index
      %get3A_734 = tpu.vector_load %arg6[%get3A_732, %get3A_733] {strides = array<i32>} : memref<40x512xi32, #tpu.memory_space<vmem>>, vector<16xi32>,
      %mul3A_735 = arith.constant 128 : i32
      %mul3A_736 = vector.broadcast %mul3A_735 : i32 to vector<16xi32>
      %mul3A_737 = arith.muli %get3A_729, %mul3A_736 : vector<16xi32>
      %add3A_738 = arith.addi %mul3A_737, %get3A_734 : vector<16xi32>
      %add3A_739 = arith.constant 160 : i32
      %add3A_740 = arith.addi %shift_left3A_668, %add3A_739 : i32
      %get3A_741 = arith.index_cast %shift_right_logical3A_666 : i32 to index
      %get3A_742 = arith.index_cast %add3A_740 : i32 to index
      %get3A_743 = tpu.vector_load %arg6[%get3A_741, %get3A_742] {strides = array<i32>} : memref<40x512xi32, #tpu.memory_space<vmem>>, vector<16xi32>,
      %add3A_744 = arith.constant 176 : i32
      %add3A_745 = arith.addi %shift_left3A_668, %add3A_744 : i32
      %get3A_746 = arith.index_cast %shift_right_logical3A_666 : i32 to index
      %get3A_747 = arith.index_cast %add3A_745 : i32 to index
      %get3A_748 = tpu.vector_load %arg6[%get3A_746, %get3A_747] {strides = array<i32>} : memref<40x512xi32, #tpu.memory_space<vmem>>, vector<16xi32>,
      %mul3A_749 = arith.constant 128 : i32
      %mul3A_750 = vector.broadcast %mul3A_749 : i32 to vector<16xi32>
      %mul3A_751 = arith.muli %get3A_743, %mul3A_750 : vector<16xi32>
      %add3A_752 = arith.addi %mul3A_751, %get3A_748 : vector<16xi32>
      %add3A_753 = arith.constant 192 : i32
      %add3A_754 = arith.addi %shift_left3A_668, %add3A_753 : i32
      %get3A_755 = arith.index_cast %shift_right_logical3A_666 : i32 to index
      %get3A_756 = arith.index_cast %add3A_754 : i32 to index
      %get3A_757 = tpu.vector_load %arg6[%get3A_755, %get3A_756] {strides = array<i32>} : memref<40x512xi32, #tpu.memory_space<vmem>>, vector<16xi32>,
      %add3A_758 = arith.constant 208 : i32
      %add3A_759 = arith.addi %shift_left3A_668, %add3A_758 : i32
      %get3A_760 = arith.index_cast %shift_right_logical3A_666 : i32 to index
      %get3A_761 = arith.index_cast %add3A_759 : i32 to index
      %get3A_762 = tpu.vector_load %arg6[%get3A_760, %get3A_761] {strides = array<i32>} : memref<40x512xi32, #tpu.memory_space<vmem>>, vector<16xi32>,
      %mul3A_763 = arith.constant 128 : i32
      %mul3A_764 = vector.broadcast %mul3A_763 : i32 to vector<16xi32>
      %mul3A_765 = arith.muli %get3A_757, %mul3A_764 : vector<16xi32>
      %add3A_766 = arith.addi %mul3A_765, %get3A_762 : vector<16xi32>
      %add3A_767 = arith.constant 224 : i32
      %add3A_768 = arith.addi %shift_left3A_668, %add3A_767 : i32
      %get3A_769 = arith.index_cast %shift_right_logical3A_666 : i32 to index
      %get3A_770 = arith.index_cast %add3A_768 : i32 to index
      %get3A_771 = tpu.vector_load %arg6[%get3A_769, %get3A_770] {strides = array<i32>} : memref<40x512xi32, #tpu.memory_space<vmem>>, vector<16xi32>,
      %add3A_772 = arith.constant 240 : i32
      %add3A_773 = arith.addi %shift_left3A_668, %add3A_772 : i32
      %get3A_774 = arith.index_cast %shift_right_logical3A_666 : i32 to index
      %get3A_775 = arith.index_cast %add3A_773 : i32 to index
      %get3A_776 = tpu.vector_load %arg6[%get3A_774, %get3A_775] {strides = array<i32>} : memref<40x512xi32, #tpu.memory_space<vmem>>, vector<16xi32>,
      %mul3A_777 = arith.constant 128 : i32
      %mul3A_778 = vector.broadcast %mul3A_777 : i32 to vector<16xi32>
      %mul3A_779 = arith.muli %get3A_771, %mul3A_778 : vector<16xi32>
      %add3A_780 = arith.addi %mul3A_779, %get3A_776 : vector<16xi32>
      scf.yield %add3A_682, %add3A_696, %add3A_710, %add3A_724, %add3A_738, %add3A_752, %add3A_766, %add3A_780, %add3A_657, %add3A_659, %add3A_661, %add3A_663 : vector<16xi32>, vector<16xi32>, vector<16xi32>, vector<16xi32>, vector<16xi32>, vector<16xi32>, vector<16xi32>, vector<16xi32>, vector<16xf32>, vector<16xf32>, vector<16xf32>, vector<16xf32>
    }
    %scan3A_113 = arith.constant 79 : i32
    %gather3A = tpu.vector_load_idx %arg5[%scan3A_112#0] : memref<16384xf32, #tpu.memory_space<vmem>>[vector<16xi32>], vector<16xf32>,
    %add3A_114 = arith.addf %scan3A_112#8, %gather3A : vector<16xf32>
    %gather3A_115 = tpu.vector_load_idx %arg5[%scan3A_112#1] : memref<16384xf32, #tpu.memory_space<vmem>>[vector<16xi32>], vector<16xf32>,
    %add3A_116 = arith.addf %scan3A_112#9, %gather3A_115 : vector<16xf32>
    %gather3A_117 = tpu.vector_load_idx %arg5[%scan3A_112#2] : memref<16384xf32, #tpu.memory_space<vmem>>[vector<16xi32>], vector<16xf32>,
    %add3A_118 = arith.addf %scan3A_112#10, %gather3A_117 : vector<16xf32>
    %gather3A_119 = tpu.vector_load_idx %arg5[%scan3A_112#3] : memref<16384xf32, #tpu.memory_space<vmem>>[vector<16xi32>], vector<16xf32>,
    %add3A_120 = arith.addf %scan3A_112#11, %gather3A_119 : vector<16xf32>
    %gather3A_121 = tpu.vector_load_idx %arg5[%scan3A_112#4] : memref<16384xf32, #tpu.memory_space<vmem>>[vector<16xi32>], vector<16xf32>,
    %add3A_122 = arith.addf %add3A_114, %gather3A_121 : vector<16xf32>
    %gather3A_123 = tpu.vector_load_idx %arg5[%scan3A_112#5] : memref<16384xf32, #tpu.memory_space<vmem>>[vector<16xi32>], vector<16xf32>,
    %add3A_124 = arith.addf %add3A_116, %gather3A_123 : vector<16xf32>
    %gather3A_125 = tpu.vector_load_idx %arg5[%scan3A_112#6] : memref<16384xf32, #tpu.memory_space<vmem>>[vector<16xi32>], vector<16xf32>,
    %add3A_126 = arith.addf %add3A_118, %gather3A_125 : vector<16xf32>
    %gather3A_127 = tpu.vector_load_idx %arg5[%scan3A_112#7] : memref<16384xf32, #tpu.memory_space<vmem>>[vector<16xi32>], vector<16xf32>,
    %add3A_128 = arith.addf %add3A_120, %gather3A_127 : vector<16xf32>
    %dma_start3A_129 = arith.constant 80 : i32
    %dma_start3A_130 = tpu.memref_slice %arg2[%dma_start3A_129, %mul3A_2] : memref<200x16384xi32, #tpu.memory_space<hbm>> -> memref<40x512xi32, #tpu.memory_space<hbm>>
    %dma_start3A_131 = arith.constant 80 : i32
    %dma_start3A_132 = tpu.memref_slice %arg2[%dma_start3A_131, %mul3A_2] : memref<200x16384xi32, #tpu.memory_space<hbm>> -> memref<40x512xi32, #tpu.memory_space<hbm>>
    tpu.enqueue_dma source(%dma_start3A_132 : memref<40x512xi32, #tpu.memory_space<hbm>>) target(%arg6 : memref<40x512xi32, #tpu.memory_space<vmem>>) target_semaphore(%arg9 : memref<!tpu.dma_semaphore, #tpu.memory_space<semaphore_mem>>)
    %dma_wait3A_133 = arith.constant 40 : i32
    %dma_wait3A_134 = tpu.memref_slice %arg2[%dma_wait3A_133, %mul3A_2] : memref<200x16384xi32, #tpu.memory_space<hbm>> -> memref<40x512xi32, #tpu.memory_space<hbm>>
    %dma_wait3A_135 = arith.constant 40 : i32
    %dma_wait3A_136 = tpu.memref_slice %arg2[%dma_wait3A_135, %mul3A_2] : memref<200x16384xi32, #tpu.memory_space<hbm>> -> memref<40x512xi32, #tpu.memory_space<hbm>>
    tpu.wait_dma2 semaphore(%arg10 : memref<!tpu.dma_semaphore, #tpu.memory_space<semaphore_mem>>) src(%dma_wait3A_136 : memref<40x512xi32, #tpu.memory_space<hbm>>) dst(%arg7 : memref<40x512xi32, #tpu.memory_space<vmem>>)
    %get3A_137 = arith.constant 0 : i32
    %get3A_138 = arith.index_cast %get3A_137 : i32 to index
    %get3A_139 = arith.constant 0 : index
    %get3A_140 = tpu.vector_load %arg7[%get3A_138, %get3A_139] {strides = array<i32>} : memref<40x512xi32, #tpu.memory_space<vmem>>, vector<16xi32>,
    %get3A_141 = arith.constant 0 : i32
    %get3A_142 = arith.index_cast %get3A_141 : i32 to index
    %get3A_143 = arith.constant 16 : index
    %get3A_144 = tpu.vector_load %arg7[%get3A_142, %get3A_143] {strides = array<i32>} : memref<40x512xi32, #tpu.memory_space<vmem>>, vector<16xi32>,
    %mul3A_145 = arith.constant 128 : i32
    %mul3A_146 = vector.broadcast %mul3A_145 : i32 to vector<16xi32>
    %mul3A_147 = arith.muli %get3A_140, %mul3A_146 : vector<16xi32>
    %add3A_148 = arith.addi %mul3A_147, %get3A_144 : vector<16xi32>
    %get3A_149 = arith.constant 0 : i32
    %get3A_150 = arith.index_cast %get3A_149 : i32 to index
    %get3A_151 = arith.constant 32 : index
    %get3A_152 = tpu.vector_load %arg7[%get3A_150, %get3A_151] {strides = array<i32>} : memref<40x512xi32, #tpu.memory_space<vmem>>, vector<16xi32>,
    %get3A_153 = arith.constant 0 : i32
    %get3A_154 = arith.index_cast %get3A_153 : i32 to index
    %get3A_155 = arith.constant 48 : index
    %get3A_156 = tpu.vector_load %arg7[%get3A_154, %get3A_155] {strides = array<i32>} : memref<40x512xi32, #tpu.memory_space<vmem>>, vector<16xi32>,
    %mul3A_157 = arith.constant 128 : i32
    %mul3A_158 = vector.broadcast %mul3A_157 : i32 to vector<16xi32>
    %mul3A_159 = arith.muli %get3A_152, %mul3A_158 : vector<16xi32>
    %add3A_160 = arith.addi %mul3A_159, %get3A_156 : vector<16xi32>
    %get3A_161 = arith.constant 0 : i32
    %get3A_162 = arith.index_cast %get3A_161 : i32 to index
    %get3A_163 = arith.constant 64 : index
    %get3A_164 = tpu.vector_load %arg7[%get3A_162, %get3A_163] {strides = array<i32>} : memref<40x512xi32, #tpu.memory_space<vmem>>, vector<16xi32>,
    %get3A_165 = arith.constant 0 : i32
    %get3A_166 = arith.index_cast %get3A_165 : i32 to index
    %get3A_167 = arith.constant 80 : index
    %get3A_168 = tpu.vector_load %arg7[%get3A_166, %get3A_167] {strides = array<i32>} : memref<40x512xi32, #tpu.memory_space<vmem>>, vector<16xi32>,
    %mul3A_169 = arith.constant 128 : i32
    %mul3A_170 = vector.broadcast %mul3A_169 : i32 to vector<16xi32>
    %mul3A_171 = arith.muli %get3A_164, %mul3A_170 : vector<16xi32>
    %add3A_172 = arith.addi %mul3A_171, %get3A_168 : vector<16xi32>
    %get3A_173 = arith.constant 0 : i32
    %get3A_174 = arith.index_cast %get3A_173 : i32 to index
    %get3A_175 = arith.constant 96 : index
    %get3A_176 = tpu.vector_load %arg7[%get3A_174, %get3A_175] {strides = array<i32>} : memref<40x512xi32, #tpu.memory_space<vmem>>, vector<16xi32>,
    %get3A_177 = arith.constant 0 : i32
    %get3A_178 = arith.index_cast %get3A_177 : i32 to index
    %get3A_179 = arith.constant 112 : index
    %get3A_180 = tpu.vector_load %arg7[%get3A_178, %get3A_179] {strides = array<i32>} : memref<40x512xi32, #tpu.memory_space<vmem>>, vector<16xi32>,
    %mul3A_181 = arith.constant 128 : i32
    %mul3A_182 = vector.broadcast %mul3A_181 : i32 to vector<16xi32>
    %mul3A_183 = arith.muli %get3A_176, %mul3A_182 : vector<16xi32>
    %add3A_184 = arith.addi %mul3A_183, %get3A_180 : vector<16xi32>
    %get3A_185 = arith.constant 0 : i32
    %get3A_186 = arith.index_cast %get3A_185 : i32 to index
    %get3A_187 = arith.constant 128 : index
    %get3A_188 = tpu.vector_load %arg7[%get3A_186, %get3A_187] {strides = array<i32>} : memref<40x512xi32, #tpu.memory_space<vmem>>, vector<16xi32>,
    %get3A_189 = arith.constant 0 : i32
    %get3A_190 = arith.index_cast %get3A_189 : i32 to index
    %get3A_191 = arith.constant 144 : index
    %get3A_192 = tpu.vector_load %arg7[%get3A_190, %get3A_191] {strides = array<i32>} : memref<40x512xi32, #tpu.memory_space<vmem>>, vector<16xi32>,
    %mul3A_193 = arith.constant 128 : i32
    %mul3A_194 = vector.broadcast %mul3A_193 : i32 to vector<16xi32>
    %mul3A_195 = arith.muli %get3A_188, %mul3A_194 : vector<16xi32>
    %add3A_196 = arith.addi %mul3A_195, %get3A_192 : vector<16xi32>
    %get3A_197 = arith.constant 0 : i32
    %get3A_198 = arith.index_cast %get3A_197 : i32 to index
    %get3A_199 = arith.constant 160 : index
    %get3A_200 = tpu.vector_load %arg7[%get3A_198, %get3A_199] {strides = array<i32>} : memref<40x512xi32, #tpu.memory_space<vmem>>, vector<16xi32>,
    %get3A_201 = arith.constant 0 : i32
    %get3A_202 = arith.index_cast %get3A_201 : i32 to index
    %get3A_203 = arith.constant 176 : index
    %get3A_204 = tpu.vector_load %arg7[%get3A_202, %get3A_203] {strides = array<i32>} : memref<40x512xi32, #tpu.memory_space<vmem>>, vector<16xi32>,
    %mul3A_205 = arith.constant 128 : i32
    %mul3A_206 = vector.broadcast %mul3A_205 : i32 to vector<16xi32>
    %mul3A_207 = arith.muli %get3A_200, %mul3A_206 : vector<16xi32>
    %add3A_208 = arith.addi %mul3A_207, %get3A_204 : vector<16xi32>
    %get3A_209 = arith.constant 0 : i32
    %get3A_210 = arith.index_cast %get3A_209 : i32 to index
    %get3A_211 = arith.constant 192 : index
    %get3A_212 = tpu.vector_load %arg7[%get3A_210, %get3A_211] {strides = array<i32>} : memref<40x512xi32, #tpu.memory_space<vmem>>, vector<16xi32>,
    %get3A_213 = arith.constant 0 : i32
    %get3A_214 = arith.index_cast %get3A_213 : i32 to index
    %get3A_215 = arith.constant 208 : index
    %get3A_216 = tpu.vector_load %arg7[%get3A_214, %get3A_215] {strides = array<i32>} : memref<40x512xi32, #tpu.memory_space<vmem>>, vector<16xi32>,
    %mul3A_217 = arith.constant 128 : i32
    %mul3A_218 = vector.broadcast %mul3A_217 : i32 to vector<16xi32>
    %mul3A_219 = arith.muli %get3A_212, %mul3A_218 : vector<16xi32>
    %add3A_220 = arith.addi %mul3A_219, %get3A_216 : vector<16xi32>
    %get3A_221 = arith.constant 0 : i32
    %get3A_222 = arith.index_cast %get3A_221 : i32 to index
    %get3A_223 = arith.constant 224 : index
    %get3A_224 = tpu.vector_load %arg7[%get3A_222, %get3A_223] {strides = array<i32>} : memref<40x512xi32, #tpu.memory_space<vmem>>, vector<16xi32>,
    %get3A_225 = arith.constant 0 : i32
    %get3A_226 = arith.index_cast %get3A_225 : i32 to index
    %get3A_227 = arith.constant 240 : index
    %get3A_228 = tpu.vector_load %arg7[%get3A_226, %get3A_227] {strides = array<i32>} : memref<40x512xi32, #tpu.memory_space<vmem>>, vector<16xi32>,
    %mul3A_229 = arith.constant 128 : i32
    %mul3A_230 = vector.broadcast %mul3A_229 : i32 to vector<16xi32>
    %mul3A_231 = arith.muli %get3A_224, %mul3A_230 : vector<16xi32>
    %add3A_232 = arith.addi %mul3A_231, %get3A_228 : vector<16xi32>
    %scan3A_233 = arith.constant 0 : i32
    %scan3A_234 = arith.constant 79 : i32
    %scan3A_235 = arith.addi %scan3A_233, %scan3A_234 : i32
    %scan3A_236 = arith.constant 1 : i32
    %scan3A_237:12 = scf.for %scan3A_635 = %scan3A_233 to %scan3A_235 step %scan3A_236 iter_args(%scan3A_636 = %add3A_148, %scan3A_637 = %add3A_160, %scan3A_638 = %add3A_172, %scan3A_639 = %add3A_184, %scan3A_640 = %add3A_196, %scan3A_641 = %add3A_208, %scan3A_642 = %add3A_220, %scan3A_643 = %add3A_232, %scan3A_644 = %add3A_122, %scan3A_645 = %add3A_124, %scan3A_646 = %add3A_126, %scan3A_647 = %add3A_128) -> (vector<16xi32>, vector<16xi32>, vector<16xi32>, vector<16xi32>, vector<16xi32>, vector<16xi32>, vector<16xi32>, vector<16xi32>, vector<16xf32>, vector<16xf32>, vector<16xf32>, vector<16xf32>)  : i32 {
      %gather3A_648 = tpu.vector_load_idx %arg5[%scan3A_636] : memref<16384xf32, #tpu.memory_space<vmem>>[vector<16xi32>], vector<16xf32>,
      %add3A_649 = arith.addf %scan3A_644, %gather3A_648 : vector<16xf32>
      %gather3A_650 = tpu.vector_load_idx %arg5[%scan3A_637] : memref<16384xf32, #tpu.memory_space<vmem>>[vector<16xi32>], vector<16xf32>,
      %add3A_651 = arith.addf %scan3A_645, %gather3A_650 : vector<16xf32>
      %gather3A_652 = tpu.vector_load_idx %arg5[%scan3A_638] : memref<16384xf32, #tpu.memory_space<vmem>>[vector<16xi32>], vector<16xf32>,
      %add3A_653 = arith.addf %scan3A_646, %gather3A_652 : vector<16xf32>
      %gather3A_654 = tpu.vector_load_idx %arg5[%scan3A_639] : memref<16384xf32, #tpu.memory_space<vmem>>[vector<16xi32>], vector<16xf32>,
      %add3A_655 = arith.addf %scan3A_647, %gather3A_654 : vector<16xf32>
      %gather3A_656 = tpu.vector_load_idx %arg5[%scan3A_640] : memref<16384xf32, #tpu.memory_space<vmem>>[vector<16xi32>], vector<16xf32>,
      %add3A_657 = arith.addf %add3A_649, %gather3A_656 : vector<16xf32>
      %gather3A_658 = tpu.vector_load_idx %arg5[%scan3A_641] : memref<16384xf32, #tpu.memory_space<vmem>>[vector<16xi32>], vector<16xf32>,
      %add3A_659 = arith.addf %add3A_651, %gather3A_658 : vector<16xf32>
      %gather3A_660 = tpu.vector_load_idx %arg5[%scan3A_642] : memref<16384xf32, #tpu.memory_space<vmem>>[vector<16xi32>], vector<16xf32>,
      %add3A_661 = arith.addf %add3A_653, %gather3A_660 : vector<16xf32>
      %gather3A_662 = tpu.vector_load_idx %arg5[%scan3A_643] : memref<16384xf32, #tpu.memory_space<vmem>>[vector<16xi32>], vector<16xf32>,
      %add3A_663 = arith.addf %add3A_655, %gather3A_662 : vector<16xf32>
      %add3A_664 = arith.constant 1 : i32
      %add3A_665 = arith.addi %scan3A_635, %add3A_664 : i32
      %shift_right_logical3A = arith.constant 1 : i32
      %shift_right_logical3A_666 = arith.shrui %add3A_665, %shift_right_logical3A : i32
      %and3A = arith.constant 1 : i32
      %and3A_667 = arith.andi %add3A_665, %and3A : i32
      %shift_left3A = arith.constant 8 : i32
      %shift_left3A_668 = arith.shli %and3A_667, %shift_left3A : i32
      %add3A_669 = arith.constant 0 : i32
      %add3A_670 = arith.addi %shift_left3A_668, %add3A_669 : i32
      %get3A_671 = arith.index_cast %shift_right_logical3A_666 : i32 to index
      %get3A_672 = arith.index_cast %add3A_670 : i32 to index
      %get3A_673 = tpu.vector_load %arg7[%get3A_671, %get3A_672] {strides = array<i32>} : memref<40x512xi32, #tpu.memory_space<vmem>>, vector<16xi32>,
      %add3A_674 = arith.constant 16 : i32
      %add3A_675 = arith.addi %shift_left3A_668, %add3A_674 : i32
      %get3A_676 = arith.index_cast %shift_right_logical3A_666 : i32 to index
      %get3A_677 = arith.index_cast %add3A_675 : i32 to index
      %get3A_678 = tpu.vector_load %arg7[%get3A_676, %get3A_677] {strides = array<i32>} : memref<40x512xi32, #tpu.memory_space<vmem>>, vector<16xi32>,
      %mul3A_679 = arith.constant 128 : i32
      %mul3A_680 = vector.broadcast %mul3A_679 : i32 to vector<16xi32>
      %mul3A_681 = arith.muli %get3A_673, %mul3A_680 : vector<16xi32>
      %add3A_682 = arith.addi %mul3A_681, %get3A_678 : vector<16xi32>
      %add3A_683 = arith.constant 32 : i32
      %add3A_684 = arith.addi %shift_left3A_668, %add3A_683 : i32
      %get3A_685 = arith.index_cast %shift_right_logical3A_666 : i32 to index
      %get3A_686 = arith.index_cast %add3A_684 : i32 to index
      %get3A_687 = tpu.vector_load %arg7[%get3A_685, %get3A_686] {strides = array<i32>} : memref<40x512xi32, #tpu.memory_space<vmem>>, vector<16xi32>,
      %add3A_688 = arith.constant 48 : i32
      %add3A_689 = arith.addi %shift_left3A_668, %add3A_688 : i32
      %get3A_690 = arith.index_cast %shift_right_logical3A_666 : i32 to index
      %get3A_691 = arith.index_cast %add3A_689 : i32 to index
      %get3A_692 = tpu.vector_load %arg7[%get3A_690, %get3A_691] {strides = array<i32>} : memref<40x512xi32, #tpu.memory_space<vmem>>, vector<16xi32>,
      %mul3A_693 = arith.constant 128 : i32
      %mul3A_694 = vector.broadcast %mul3A_693 : i32 to vector<16xi32>
      %mul3A_695 = arith.muli %get3A_687, %mul3A_694 : vector<16xi32>
      %add3A_696 = arith.addi %mul3A_695, %get3A_692 : vector<16xi32>
      %add3A_697 = arith.constant 64 : i32
      %add3A_698 = arith.addi %shift_left3A_668, %add3A_697 : i32
      %get3A_699 = arith.index_cast %shift_right_logical3A_666 : i32 to index
      %get3A_700 = arith.index_cast %add3A_698 : i32 to index
      %get3A_701 = tpu.vector_load %arg7[%get3A_699, %get3A_700] {strides = array<i32>} : memref<40x512xi32, #tpu.memory_space<vmem>>, vector<16xi32>,
      %add3A_702 = arith.constant 80 : i32
      %add3A_703 = arith.addi %shift_left3A_668, %add3A_702 : i32
      %get3A_704 = arith.index_cast %shift_right_logical3A_666 : i32 to index
      %get3A_705 = arith.index_cast %add3A_703 : i32 to index
      %get3A_706 = tpu.vector_load %arg7[%get3A_704, %get3A_705] {strides = array<i32>} : memref<40x512xi32, #tpu.memory_space<vmem>>, vector<16xi32>,
      %mul3A_707 = arith.constant 128 : i32
      %mul3A_708 = vector.broadcast %mul3A_707 : i32 to vector<16xi32>
      %mul3A_709 = arith.muli %get3A_701, %mul3A_708 : vector<16xi32>
      %add3A_710 = arith.addi %mul3A_709, %get3A_706 : vector<16xi32>
      %add3A_711 = arith.constant 96 : i32
      %add3A_712 = arith.addi %shift_left3A_668, %add3A_711 : i32
      %get3A_713 = arith.index_cast %shift_right_logical3A_666 : i32 to index
      %get3A_714 = arith.index_cast %add3A_712 : i32 to index
      %get3A_715 = tpu.vector_load %arg7[%get3A_713, %get3A_714] {strides = array<i32>} : memref<40x512xi32, #tpu.memory_space<vmem>>, vector<16xi32>,
      %add3A_716 = arith.constant 112 : i32
      %add3A_717 = arith.addi %shift_left3A_668, %add3A_716 : i32
      %get3A_718 = arith.index_cast %shift_right_logical3A_666 : i32 to index
      %get3A_719 = arith.index_cast %add3A_717 : i32 to index
      %get3A_720 = tpu.vector_load %arg7[%get3A_718, %get3A_719] {strides = array<i32>} : memref<40x512xi32, #tpu.memory_space<vmem>>, vector<16xi32>,
      %mul3A_721 = arith.constant 128 : i32
      %mul3A_722 = vector.broadcast %mul3A_721 : i32 to vector<16xi32>
      %mul3A_723 = arith.muli %get3A_715, %mul3A_722 : vector<16xi32>
      %add3A_724 = arith.addi %mul3A_723, %get3A_720 : vector<16xi32>
      %add3A_725 = arith.constant 128 : i32
      %add3A_726 = arith.addi %shift_left3A_668, %add3A_725 : i32
      %get3A_727 = arith.index_cast %shift_right_logical3A_666 : i32 to index
      %get3A_728 = arith.index_cast %add3A_726 : i32 to index
      %get3A_729 = tpu.vector_load %arg7[%get3A_727, %get3A_728] {strides = array<i32>} : memref<40x512xi32, #tpu.memory_space<vmem>>, vector<16xi32>,
      %add3A_730 = arith.constant 144 : i32
      %add3A_731 = arith.addi %shift_left3A_668, %add3A_730 : i32
      %get3A_732 = arith.index_cast %shift_right_logical3A_666 : i32 to index
      %get3A_733 = arith.index_cast %add3A_731 : i32 to index
      %get3A_734 = tpu.vector_load %arg7[%get3A_732, %get3A_733] {strides = array<i32>} : memref<40x512xi32, #tpu.memory_space<vmem>>, vector<16xi32>,
      %mul3A_735 = arith.constant 128 : i32
      %mul3A_736 = vector.broadcast %mul3A_735 : i32 to vector<16xi32>
      %mul3A_737 = arith.muli %get3A_729, %mul3A_736 : vector<16xi32>
      %add3A_738 = arith.addi %mul3A_737, %get3A_734 : vector<16xi32>
      %add3A_739 = arith.constant 160 : i32
      %add3A_740 = arith.addi %shift_left3A_668, %add3A_739 : i32
      %get3A_741 = arith.index_cast %shift_right_logical3A_666 : i32 to index
      %get3A_742 = arith.index_cast %add3A_740 : i32 to index
      %get3A_743 = tpu.vector_load %arg7[%get3A_741, %get3A_742] {strides = array<i32>} : memref<40x512xi32, #tpu.memory_space<vmem>>, vector<16xi32>,
      %add3A_744 = arith.constant 176 : i32
      %add3A_745 = arith.addi %shift_left3A_668, %add3A_744 : i32
      %get3A_746 = arith.index_cast %shift_right_logical3A_666 : i32 to index
      %get3A_747 = arith.index_cast %add3A_745 : i32 to index
      %get3A_748 = tpu.vector_load %arg7[%get3A_746, %get3A_747] {strides = array<i32>} : memref<40x512xi32, #tpu.memory_space<vmem>>, vector<16xi32>,
      %mul3A_749 = arith.constant 128 : i32
      %mul3A_750 = vector.broadcast %mul3A_749 : i32 to vector<16xi32>
      %mul3A_751 = arith.muli %get3A_743, %mul3A_750 : vector<16xi32>
      %add3A_752 = arith.addi %mul3A_751, %get3A_748 : vector<16xi32>
      %add3A_753 = arith.constant 192 : i32
      %add3A_754 = arith.addi %shift_left3A_668, %add3A_753 : i32
      %get3A_755 = arith.index_cast %shift_right_logical3A_666 : i32 to index
      %get3A_756 = arith.index_cast %add3A_754 : i32 to index
      %get3A_757 = tpu.vector_load %arg7[%get3A_755, %get3A_756] {strides = array<i32>} : memref<40x512xi32, #tpu.memory_space<vmem>>, vector<16xi32>,
      %add3A_758 = arith.constant 208 : i32
      %add3A_759 = arith.addi %shift_left3A_668, %add3A_758 : i32
      %get3A_760 = arith.index_cast %shift_right_logical3A_666 : i32 to index
      %get3A_761 = arith.index_cast %add3A_759 : i32 to index
      %get3A_762 = tpu.vector_load %arg7[%get3A_760, %get3A_761] {strides = array<i32>} : memref<40x512xi32, #tpu.memory_space<vmem>>, vector<16xi32>,
      %mul3A_763 = arith.constant 128 : i32
      %mul3A_764 = vector.broadcast %mul3A_763 : i32 to vector<16xi32>
      %mul3A_765 = arith.muli %get3A_757, %mul3A_764 : vector<16xi32>
      %add3A_766 = arith.addi %mul3A_765, %get3A_762 : vector<16xi32>
      %add3A_767 = arith.constant 224 : i32
      %add3A_768 = arith.addi %shift_left3A_668, %add3A_767 : i32
      %get3A_769 = arith.index_cast %shift_right_logical3A_666 : i32 to index
      %get3A_770 = arith.index_cast %add3A_768 : i32 to index
      %get3A_771 = tpu.vector_load %arg7[%get3A_769, %get3A_770] {strides = array<i32>} : memref<40x512xi32, #tpu.memory_space<vmem>>, vector<16xi32>,
      %add3A_772 = arith.constant 240 : i32
      %add3A_773 = arith.addi %shift_left3A_668, %add3A_772 : i32
      %get3A_774 = arith.index_cast %shift_right_logical3A_666 : i32 to index
      %get3A_775 = arith.index_cast %add3A_773 : i32 to index
      %get3A_776 = tpu.vector_load %arg7[%get3A_774, %get3A_775] {strides = array<i32>} : memref<40x512xi32, #tpu.memory_space<vmem>>, vector<16xi32>,
      %mul3A_777 = arith.constant 128 : i32
      %mul3A_778 = vector.broadcast %mul3A_777 : i32 to vector<16xi32>
      %mul3A_779 = arith.muli %get3A_771, %mul3A_778 : vector<16xi32>
      %add3A_780 = arith.addi %mul3A_779, %get3A_776 : vector<16xi32>
      scf.yield %add3A_682, %add3A_696, %add3A_710, %add3A_724, %add3A_738, %add3A_752, %add3A_766, %add3A_780, %add3A_657, %add3A_659, %add3A_661, %add3A_663 : vector<16xi32>, vector<16xi32>, vector<16xi32>, vector<16xi32>, vector<16xi32>, vector<16xi32>, vector<16xi32>, vector<16xi32>, vector<16xf32>, vector<16xf32>, vector<16xf32>, vector<16xf32>
    }
    %scan3A_238 = arith.constant 79 : i32
    %gather3A_239 = tpu.vector_load_idx %arg5[%scan3A_237#0] : memref<16384xf32, #tpu.memory_space<vmem>>[vector<16xi32>], vector<16xf32>,
    %add3A_240 = arith.addf %scan3A_237#8, %gather3A_239 : vector<16xf32>
    %gather3A_241 = tpu.vector_load_idx %arg5[%scan3A_237#1] : memref<16384xf32, #tpu.memory_space<vmem>>[vector<16xi32>], vector<16xf32>,
    %add3A_242 = arith.addf %scan3A_237#9, %gather3A_241 : vector<16xf32>
    %gather3A_243 = tpu.vector_load_idx %arg5[%scan3A_237#2] : memref<16384xf32, #tpu.memory_space<vmem>>[vector<16xi32>], vector<16xf32>,
    %add3A_244 = arith.addf %scan3A_237#10, %gather3A_243 : vector<16xf32>
    %gather3A_245 = tpu.vector_load_idx %arg5[%scan3A_237#3] : memref<16384xf32, #tpu.memory_space<vmem>>[vector<16xi32>], vector<16xf32>,
    %add3A_246 = arith.addf %scan3A_237#11, %gather3A_245 : vector<16xf32>
    %gather3A_247 = tpu.vector_load_idx %arg5[%scan3A_237#4] : memref<16384xf32, #tpu.memory_space<vmem>>[vector<16xi32>], vector<16xf32>,
    %add3A_248 = arith.addf %add3A_240, %gather3A_247 : vector<16xf32>
    %gather3A_249 = tpu.vector_load_idx %arg5[%scan3A_237#5] : memref<16384xf32, #tpu.memory_space<vmem>>[vector<16xi32>], vector<16xf32>,
    %add3A_250 = arith.addf %add3A_242, %gather3A_249 : vector<16xf32>
    %gather3A_251 = tpu.vector_load_idx %arg5[%scan3A_237#6] : memref<16384xf32, #tpu.memory_space<vmem>>[vector<16xi32>], vector<16xf32>,
    %add3A_252 = arith.addf %add3A_244, %gather3A_251 : vector<16xf32>
    %gather3A_253 = tpu.vector_load_idx %arg5[%scan3A_237#7] : memref<16384xf32, #tpu.memory_space<vmem>>[vector<16xi32>], vector<16xf32>,
    %add3A_254 = arith.addf %add3A_246, %gather3A_253 : vector<16xf32>
    %dma_start3A_255 = arith.constant 120 : i32
    %dma_start3A_256 = tpu.memref_slice %arg2[%dma_start3A_255, %mul3A_2] : memref<200x16384xi32, #tpu.memory_space<hbm>> -> memref<40x512xi32, #tpu.memory_space<hbm>>
    %dma_start3A_257 = arith.constant 120 : i32
    %dma_start3A_258 = tpu.memref_slice %arg2[%dma_start3A_257, %mul3A_2] : memref<200x16384xi32, #tpu.memory_space<hbm>> -> memref<40x512xi32, #tpu.memory_space<hbm>>
    tpu.enqueue_dma source(%dma_start3A_258 : memref<40x512xi32, #tpu.memory_space<hbm>>) target(%arg7 : memref<40x512xi32, #tpu.memory_space<vmem>>) target_semaphore(%arg10 : memref<!tpu.dma_semaphore, #tpu.memory_space<semaphore_mem>>)
    %dma_wait3A_259 = arith.constant 80 : i32
    %dma_wait3A_260 = tpu.memref_slice %arg2[%dma_wait3A_259, %mul3A_2] : memref<200x16384xi32, #tpu.memory_space<hbm>> -> memref<40x512xi32, #tpu.memory_space<hbm>>
    %dma_wait3A_261 = arith.constant 80 : i32
    %dma_wait3A_262 = tpu.memref_slice %arg2[%dma_wait3A_261, %mul3A_2] : memref<200x16384xi32, #tpu.memory_space<hbm>> -> memref<40x512xi32, #tpu.memory_space<hbm>>
    tpu.wait_dma2 semaphore(%arg9 : memref<!tpu.dma_semaphore, #tpu.memory_space<semaphore_mem>>) src(%dma_wait3A_262 : memref<40x512xi32, #tpu.memory_space<hbm>>) dst(%arg6 : memref<40x512xi32, #tpu.memory_space<vmem>>)
    %get3A_263 = arith.constant 0 : i32
    %get3A_264 = arith.index_cast %get3A_263 : i32 to index
    %get3A_265 = arith.constant 0 : index
    %get3A_266 = tpu.vector_load %arg6[%get3A_264, %get3A_265] {strides = array<i32>} : memref<40x512xi32, #tpu.memory_space<vmem>>, vector<16xi32>,
    %get3A_267 = arith.constant 0 : i32
    %get3A_268 = arith.index_cast %get3A_267 : i32 to index
    %get3A_269 = arith.constant 16 : index
    %get3A_270 = tpu.vector_load %arg6[%get3A_268, %get3A_269] {strides = array<i32>} : memref<40x512xi32, #tpu.memory_space<vmem>>, vector<16xi32>,
    %mul3A_271 = arith.constant 128 : i32
    %mul3A_272 = vector.broadcast %mul3A_271 : i32 to vector<16xi32>
    %mul3A_273 = arith.muli %get3A_266, %mul3A_272 : vector<16xi32>
    %add3A_274 = arith.addi %mul3A_273, %get3A_270 : vector<16xi32>
    %get3A_275 = arith.constant 0 : i32
    %get3A_276 = arith.index_cast %get3A_275 : i32 to index
    %get3A_277 = arith.constant 32 : index
    %get3A_278 = tpu.vector_load %arg6[%get3A_276, %get3A_277] {strides = array<i32>} : memref<40x512xi32, #tpu.memory_space<vmem>>, vector<16xi32>,
    %get3A_279 = arith.constant 0 : i32
    %get3A_280 = arith.index_cast %get3A_279 : i32 to index
    %get3A_281 = arith.constant 48 : index
    %get3A_282 = tpu.vector_load %arg6[%get3A_280, %get3A_281] {strides = array<i32>} : memref<40x512xi32, #tpu.memory_space<vmem>>, vector<16xi32>,
    %mul3A_283 = arith.constant 128 : i32
    %mul3A_284 = vector.broadcast %mul3A_283 : i32 to vector<16xi32>
    %mul3A_285 = arith.muli %get3A_278, %mul3A_284 : vector<16xi32>
    %add3A_286 = arith.addi %mul3A_285, %get3A_282 : vector<16xi32>
    %get3A_287 = arith.constant 0 : i32
    %get3A_288 = arith.index_cast %get3A_287 : i32 to index
    %get3A_289 = arith.constant 64 : index
    %get3A_290 = tpu.vector_load %arg6[%get3A_288, %get3A_289] {strides = array<i32>} : memref<40x512xi32, #tpu.memory_space<vmem>>, vector<16xi32>,
    %get3A_291 = arith.constant 0 : i32
    %get3A_292 = arith.index_cast %get3A_291 : i32 to index
    %get3A_293 = arith.constant 80 : index
    %get3A_294 = tpu.vector_load %arg6[%get3A_292, %get3A_293] {strides = array<i32>} : memref<40x512xi32, #tpu.memory_space<vmem>>, vector<16xi32>,
    %mul3A_295 = arith.constant 128 : i32
    %mul3A_296 = vector.broadcast %mul3A_295 : i32 to vector<16xi32>
    %mul3A_297 = arith.muli %get3A_290, %mul3A_296 : vector<16xi32>
    %add3A_298 = arith.addi %mul3A_297, %get3A_294 : vector<16xi32>
    %get3A_299 = arith.constant 0 : i32
    %get3A_300 = arith.index_cast %get3A_299 : i32 to index
    %get3A_301 = arith.constant 96 : index
    %get3A_302 = tpu.vector_load %arg6[%get3A_300, %get3A_301] {strides = array<i32>} : memref<40x512xi32, #tpu.memory_space<vmem>>, vector<16xi32>,
    %get3A_303 = arith.constant 0 : i32
    %get3A_304 = arith.index_cast %get3A_303 : i32 to index
    %get3A_305 = arith.constant 112 : index
    %get3A_306 = tpu.vector_load %arg6[%get3A_304, %get3A_305] {strides = array<i32>} : memref<40x512xi32, #tpu.memory_space<vmem>>, vector<16xi32>,
    %mul3A_307 = arith.constant 128 : i32
    %mul3A_308 = vector.broadcast %mul3A_307 : i32 to vector<16xi32>
    %mul3A_309 = arith.muli %get3A_302, %mul3A_308 : vector<16xi32>
    %add3A_310 = arith.addi %mul3A_309, %get3A_306 : vector<16xi32>
    %get3A_311 = arith.constant 0 : i32
    %get3A_312 = arith.index_cast %get3A_311 : i32 to index
    %get3A_313 = arith.constant 128 : index
    %get3A_314 = tpu.vector_load %arg6[%get3A_312, %get3A_313] {strides = array<i32>} : memref<40x512xi32, #tpu.memory_space<vmem>>, vector<16xi32>,
    %get3A_315 = arith.constant 0 : i32
    %get3A_316 = arith.index_cast %get3A_315 : i32 to index
    %get3A_317 = arith.constant 144 : index
    %get3A_318 = tpu.vector_load %arg6[%get3A_316, %get3A_317] {strides = array<i32>} : memref<40x512xi32, #tpu.memory_space<vmem>>, vector<16xi32>,
    %mul3A_319 = arith.constant 128 : i32
    %mul3A_320 = vector.broadcast %mul3A_319 : i32 to vector<16xi32>
    %mul3A_321 = arith.muli %get3A_314, %mul3A_320 : vector<16xi32>
    %add3A_322 = arith.addi %mul3A_321, %get3A_318 : vector<16xi32>
    %get3A_323 = arith.constant 0 : i32
    %get3A_324 = arith.index_cast %get3A_323 : i32 to index
    %get3A_325 = arith.constant 160 : index
    %get3A_326 = tpu.vector_load %arg6[%get3A_324, %get3A_325] {strides = array<i32>} : memref<40x512xi32, #tpu.memory_space<vmem>>, vector<16xi32>,
    %get3A_327 = arith.constant 0 : i32
    %get3A_328 = arith.index_cast %get3A_327 : i32 to index
    %get3A_329 = arith.constant 176 : index
    %get3A_330 = tpu.vector_load %arg6[%get3A_328, %get3A_329] {strides = array<i32>} : memref<40x512xi32, #tpu.memory_space<vmem>>, vector<16xi32>,
    %mul3A_331 = arith.constant 128 : i32
    %mul3A_332 = vector.broadcast %mul3A_331 : i32 to vector<16xi32>
    %mul3A_333 = arith.muli %get3A_326, %mul3A_332 : vector<16xi32>
    %add3A_334 = arith.addi %mul3A_333, %get3A_330 : vector<16xi32>
    %get3A_335 = arith.constant 0 : i32
    %get3A_336 = arith.index_cast %get3A_335 : i32 to index
    %get3A_337 = arith.constant 192 : index
    %get3A_338 = tpu.vector_load %arg6[%get3A_336, %get3A_337] {strides = array<i32>} : memref<40x512xi32, #tpu.memory_space<vmem>>, vector<16xi32>,
    %get3A_339 = arith.constant 0 : i32
    %get3A_340 = arith.index_cast %get3A_339 : i32 to index
    %get3A_341 = arith.constant 208 : index
    %get3A_342 = tpu.vector_load %arg6[%get3A_340, %get3A_341] {strides = array<i32>} : memref<40x512xi32, #tpu.memory_space<vmem>>, vector<16xi32>,
    %mul3A_343 = arith.constant 128 : i32
    %mul3A_344 = vector.broadcast %mul3A_343 : i32 to vector<16xi32>
    %mul3A_345 = arith.muli %get3A_338, %mul3A_344 : vector<16xi32>
    %add3A_346 = arith.addi %mul3A_345, %get3A_342 : vector<16xi32>
    %get3A_347 = arith.constant 0 : i32
    %get3A_348 = arith.index_cast %get3A_347 : i32 to index
    %get3A_349 = arith.constant 224 : index
    %get3A_350 = tpu.vector_load %arg6[%get3A_348, %get3A_349] {strides = array<i32>} : memref<40x512xi32, #tpu.memory_space<vmem>>, vector<16xi32>,
    %get3A_351 = arith.constant 0 : i32
    %get3A_352 = arith.index_cast %get3A_351 : i32 to index
    %get3A_353 = arith.constant 240 : index
    %get3A_354 = tpu.vector_load %arg6[%get3A_352, %get3A_353] {strides = array<i32>} : memref<40x512xi32, #tpu.memory_space<vmem>>, vector<16xi32>,
    %mul3A_355 = arith.constant 128 : i32
    %mul3A_356 = vector.broadcast %mul3A_355 : i32 to vector<16xi32>
    %mul3A_357 = arith.muli %get3A_350, %mul3A_356 : vector<16xi32>
    %add3A_358 = arith.addi %mul3A_357, %get3A_354 : vector<16xi32>
    %scan3A_359 = arith.constant 0 : i32
    %scan3A_360 = arith.constant 79 : i32
    %scan3A_361 = arith.addi %scan3A_359, %scan3A_360 : i32
    %scan3A_362 = arith.constant 1 : i32
    %scan3A_363:12 = scf.for %scan3A_635 = %scan3A_359 to %scan3A_361 step %scan3A_362 iter_args(%scan3A_636 = %add3A_274, %scan3A_637 = %add3A_286, %scan3A_638 = %add3A_298, %scan3A_639 = %add3A_310, %scan3A_640 = %add3A_322, %scan3A_641 = %add3A_334, %scan3A_642 = %add3A_346, %scan3A_643 = %add3A_358, %scan3A_644 = %add3A_248, %scan3A_645 = %add3A_250, %scan3A_646 = %add3A_252, %scan3A_647 = %add3A_254) -> (vector<16xi32>, vector<16xi32>, vector<16xi32>, vector<16xi32>, vector<16xi32>, vector<16xi32>, vector<16xi32>, vector<16xi32>, vector<16xf32>, vector<16xf32>, vector<16xf32>, vector<16xf32>)  : i32 {
      %gather3A_648 = tpu.vector_load_idx %arg5[%scan3A_636] : memref<16384xf32, #tpu.memory_space<vmem>>[vector<16xi32>], vector<16xf32>,
      %add3A_649 = arith.addf %scan3A_644, %gather3A_648 : vector<16xf32>
      %gather3A_650 = tpu.vector_load_idx %arg5[%scan3A_637] : memref<16384xf32, #tpu.memory_space<vmem>>[vector<16xi32>], vector<16xf32>,
      %add3A_651 = arith.addf %scan3A_645, %gather3A_650 : vector<16xf32>
      %gather3A_652 = tpu.vector_load_idx %arg5[%scan3A_638] : memref<16384xf32, #tpu.memory_space<vmem>>[vector<16xi32>], vector<16xf32>,
      %add3A_653 = arith.addf %scan3A_646, %gather3A_652 : vector<16xf32>
      %gather3A_654 = tpu.vector_load_idx %arg5[%scan3A_639] : memref<16384xf32, #tpu.memory_space<vmem>>[vector<16xi32>], vector<16xf32>,
      %add3A_655 = arith.addf %scan3A_647, %gather3A_654 : vector<16xf32>
      %gather3A_656 = tpu.vector_load_idx %arg5[%scan3A_640] : memref<16384xf32, #tpu.memory_space<vmem>>[vector<16xi32>], vector<16xf32>,
      %add3A_657 = arith.addf %add3A_649, %gather3A_656 : vector<16xf32>
      %gather3A_658 = tpu.vector_load_idx %arg5[%scan3A_641] : memref<16384xf32, #tpu.memory_space<vmem>>[vector<16xi32>], vector<16xf32>,
      %add3A_659 = arith.addf %add3A_651, %gather3A_658 : vector<16xf32>
      %gather3A_660 = tpu.vector_load_idx %arg5[%scan3A_642] : memref<16384xf32, #tpu.memory_space<vmem>>[vector<16xi32>], vector<16xf32>,
      %add3A_661 = arith.addf %add3A_653, %gather3A_660 : vector<16xf32>
      %gather3A_662 = tpu.vector_load_idx %arg5[%scan3A_643] : memref<16384xf32, #tpu.memory_space<vmem>>[vector<16xi32>], vector<16xf32>,
      %add3A_663 = arith.addf %add3A_655, %gather3A_662 : vector<16xf32>
      %add3A_664 = arith.constant 1 : i32
      %add3A_665 = arith.addi %scan3A_635, %add3A_664 : i32
      %shift_right_logical3A = arith.constant 1 : i32
      %shift_right_logical3A_666 = arith.shrui %add3A_665, %shift_right_logical3A : i32
      %and3A = arith.constant 1 : i32
      %and3A_667 = arith.andi %add3A_665, %and3A : i32
      %shift_left3A = arith.constant 8 : i32
      %shift_left3A_668 = arith.shli %and3A_667, %shift_left3A : i32
      %add3A_669 = arith.constant 0 : i32
      %add3A_670 = arith.addi %shift_left3A_668, %add3A_669 : i32
      %get3A_671 = arith.index_cast %shift_right_logical3A_666 : i32 to index
      %get3A_672 = arith.index_cast %add3A_670 : i32 to index
      %get3A_673 = tpu.vector_load %arg6[%get3A_671, %get3A_672] {strides = array<i32>} : memref<40x512xi32, #tpu.memory_space<vmem>>, vector<16xi32>,
      %add3A_674 = arith.constant 16 : i32
      %add3A_675 = arith.addi %shift_left3A_668, %add3A_674 : i32
      %get3A_676 = arith.index_cast %shift_right_logical3A_666 : i32 to index
      %get3A_677 = arith.index_cast %add3A_675 : i32 to index
      %get3A_678 = tpu.vector_load %arg6[%get3A_676, %get3A_677] {strides = array<i32>} : memref<40x512xi32, #tpu.memory_space<vmem>>, vector<16xi32>,
      %mul3A_679 = arith.constant 128 : i32
      %mul3A_680 = vector.broadcast %mul3A_679 : i32 to vector<16xi32>
      %mul3A_681 = arith.muli %get3A_673, %mul3A_680 : vector<16xi32>
      %add3A_682 = arith.addi %mul3A_681, %get3A_678 : vector<16xi32>
      %add3A_683 = arith.constant 32 : i32
      %add3A_684 = arith.addi %shift_left3A_668, %add3A_683 : i32
      %get3A_685 = arith.index_cast %shift_right_logical3A_666 : i32 to index
      %get3A_686 = arith.index_cast %add3A_684 : i32 to index
      %get3A_687 = tpu.vector_load %arg6[%get3A_685, %get3A_686] {strides = array<i32>} : memref<40x512xi32, #tpu.memory_space<vmem>>, vector<16xi32>,
      %add3A_688 = arith.constant 48 : i32
      %add3A_689 = arith.addi %shift_left3A_668, %add3A_688 : i32
      %get3A_690 = arith.index_cast %shift_right_logical3A_666 : i32 to index
      %get3A_691 = arith.index_cast %add3A_689 : i32 to index
      %get3A_692 = tpu.vector_load %arg6[%get3A_690, %get3A_691] {strides = array<i32>} : memref<40x512xi32, #tpu.memory_space<vmem>>, vector<16xi32>,
      %mul3A_693 = arith.constant 128 : i32
      %mul3A_694 = vector.broadcast %mul3A_693 : i32 to vector<16xi32>
      %mul3A_695 = arith.muli %get3A_687, %mul3A_694 : vector<16xi32>
      %add3A_696 = arith.addi %mul3A_695, %get3A_692 : vector<16xi32>
      %add3A_697 = arith.constant 64 : i32
      %add3A_698 = arith.addi %shift_left3A_668, %add3A_697 : i32
      %get3A_699 = arith.index_cast %shift_right_logical3A_666 : i32 to index
      %get3A_700 = arith.index_cast %add3A_698 : i32 to index
      %get3A_701 = tpu.vector_load %arg6[%get3A_699, %get3A_700] {strides = array<i32>} : memref<40x512xi32, #tpu.memory_space<vmem>>, vector<16xi32>,
      %add3A_702 = arith.constant 80 : i32
      %add3A_703 = arith.addi %shift_left3A_668, %add3A_702 : i32
      %get3A_704 = arith.index_cast %shift_right_logical3A_666 : i32 to index
      %get3A_705 = arith.index_cast %add3A_703 : i32 to index
      %get3A_706 = tpu.vector_load %arg6[%get3A_704, %get3A_705] {strides = array<i32>} : memref<40x512xi32, #tpu.memory_space<vmem>>, vector<16xi32>,
      %mul3A_707 = arith.constant 128 : i32
      %mul3A_708 = vector.broadcast %mul3A_707 : i32 to vector<16xi32>
      %mul3A_709 = arith.muli %get3A_701, %mul3A_708 : vector<16xi32>
      %add3A_710 = arith.addi %mul3A_709, %get3A_706 : vector<16xi32>
      %add3A_711 = arith.constant 96 : i32
      %add3A_712 = arith.addi %shift_left3A_668, %add3A_711 : i32
      %get3A_713 = arith.index_cast %shift_right_logical3A_666 : i32 to index
      %get3A_714 = arith.index_cast %add3A_712 : i32 to index
      %get3A_715 = tpu.vector_load %arg6[%get3A_713, %get3A_714] {strides = array<i32>} : memref<40x512xi32, #tpu.memory_space<vmem>>, vector<16xi32>,
      %add3A_716 = arith.constant 112 : i32
      %add3A_717 = arith.addi %shift_left3A_668, %add3A_716 : i32
      %get3A_718 = arith.index_cast %shift_right_logical3A_666 : i32 to index
      %get3A_719 = arith.index_cast %add3A_717 : i32 to index
      %get3A_720 = tpu.vector_load %arg6[%get3A_718, %get3A_719] {strides = array<i32>} : memref<40x512xi32, #tpu.memory_space<vmem>>, vector<16xi32>,
      %mul3A_721 = arith.constant 128 : i32
      %mul3A_722 = vector.broadcast %mul3A_721 : i32 to vector<16xi32>
      %mul3A_723 = arith.muli %get3A_715, %mul3A_722 : vector<16xi32>
      %add3A_724 = arith.addi %mul3A_723, %get3A_720 : vector<16xi32>
      %add3A_725 = arith.constant 128 : i32
      %add3A_726 = arith.addi %shift_left3A_668, %add3A_725 : i32
      %get3A_727 = arith.index_cast %shift_right_logical3A_666 : i32 to index
      %get3A_728 = arith.index_cast %add3A_726 : i32 to index
      %get3A_729 = tpu.vector_load %arg6[%get3A_727, %get3A_728] {strides = array<i32>} : memref<40x512xi32, #tpu.memory_space<vmem>>, vector<16xi32>,
      %add3A_730 = arith.constant 144 : i32
      %add3A_731 = arith.addi %shift_left3A_668, %add3A_730 : i32
      %get3A_732 = arith.index_cast %shift_right_logical3A_666 : i32 to index
      %get3A_733 = arith.index_cast %add3A_731 : i32 to index
      %get3A_734 = tpu.vector_load %arg6[%get3A_732, %get3A_733] {strides = array<i32>} : memref<40x512xi32, #tpu.memory_space<vmem>>, vector<16xi32>,
      %mul3A_735 = arith.constant 128 : i32
      %mul3A_736 = vector.broadcast %mul3A_735 : i32 to vector<16xi32>
      %mul3A_737 = arith.muli %get3A_729, %mul3A_736 : vector<16xi32>
      %add3A_738 = arith.addi %mul3A_737, %get3A_734 : vector<16xi32>
      %add3A_739 = arith.constant 160 : i32
      %add3A_740 = arith.addi %shift_left3A_668, %add3A_739 : i32
      %get3A_741 = arith.index_cast %shift_right_logical3A_666 : i32 to index
      %get3A_742 = arith.index_cast %add3A_740 : i32 to index
      %get3A_743 = tpu.vector_load %arg6[%get3A_741, %get3A_742] {strides = array<i32>} : memref<40x512xi32, #tpu.memory_space<vmem>>, vector<16xi32>,
      %add3A_744 = arith.constant 176 : i32
      %add3A_745 = arith.addi %shift_left3A_668, %add3A_744 : i32
      %get3A_746 = arith.index_cast %shift_right_logical3A_666 : i32 to index
      %get3A_747 = arith.index_cast %add3A_745 : i32 to index
      %get3A_748 = tpu.vector_load %arg6[%get3A_746, %get3A_747] {strides = array<i32>} : memref<40x512xi32, #tpu.memory_space<vmem>>, vector<16xi32>,
      %mul3A_749 = arith.constant 128 : i32
      %mul3A_750 = vector.broadcast %mul3A_749 : i32 to vector<16xi32>
      %mul3A_751 = arith.muli %get3A_743, %mul3A_750 : vector<16xi32>
      %add3A_752 = arith.addi %mul3A_751, %get3A_748 : vector<16xi32>
      %add3A_753 = arith.constant 192 : i32
      %add3A_754 = arith.addi %shift_left3A_668, %add3A_753 : i32
      %get3A_755 = arith.index_cast %shift_right_logical3A_666 : i32 to index
      %get3A_756 = arith.index_cast %add3A_754 : i32 to index
      %get3A_757 = tpu.vector_load %arg6[%get3A_755, %get3A_756] {strides = array<i32>} : memref<40x512xi32, #tpu.memory_space<vmem>>, vector<16xi32>,
      %add3A_758 = arith.constant 208 : i32
      %add3A_759 = arith.addi %shift_left3A_668, %add3A_758 : i32
      %get3A_760 = arith.index_cast %shift_right_logical3A_666 : i32 to index
      %get3A_761 = arith.index_cast %add3A_759 : i32 to index
      %get3A_762 = tpu.vector_load %arg6[%get3A_760, %get3A_761] {strides = array<i32>} : memref<40x512xi32, #tpu.memory_space<vmem>>, vector<16xi32>,
      %mul3A_763 = arith.constant 128 : i32
      %mul3A_764 = vector.broadcast %mul3A_763 : i32 to vector<16xi32>
      %mul3A_765 = arith.muli %get3A_757, %mul3A_764 : vector<16xi32>
      %add3A_766 = arith.addi %mul3A_765, %get3A_762 : vector<16xi32>
      %add3A_767 = arith.constant 224 : i32
      %add3A_768 = arith.addi %shift_left3A_668, %add3A_767 : i32
      %get3A_769 = arith.index_cast %shift_right_logical3A_666 : i32 to index
      %get3A_770 = arith.index_cast %add3A_768 : i32 to index
      %get3A_771 = tpu.vector_load %arg6[%get3A_769, %get3A_770] {strides = array<i32>} : memref<40x512xi32, #tpu.memory_space<vmem>>, vector<16xi32>,
      %add3A_772 = arith.constant 240 : i32
      %add3A_773 = arith.addi %shift_left3A_668, %add3A_772 : i32
      %get3A_774 = arith.index_cast %shift_right_logical3A_666 : i32 to index
      %get3A_775 = arith.index_cast %add3A_773 : i32 to index
      %get3A_776 = tpu.vector_load %arg6[%get3A_774, %get3A_775] {strides = array<i32>} : memref<40x512xi32, #tpu.memory_space<vmem>>, vector<16xi32>,
      %mul3A_777 = arith.constant 128 : i32
      %mul3A_778 = vector.broadcast %mul3A_777 : i32 to vector<16xi32>
      %mul3A_779 = arith.muli %get3A_771, %mul3A_778 : vector<16xi32>
      %add3A_780 = arith.addi %mul3A_779, %get3A_776 : vector<16xi32>
      scf.yield %add3A_682, %add3A_696, %add3A_710, %add3A_724, %add3A_738, %add3A_752, %add3A_766, %add3A_780, %add3A_657, %add3A_659, %add3A_661, %add3A_663 : vector<16xi32>, vector<16xi32>, vector<16xi32>, vector<16xi32>, vector<16xi32>, vector<16xi32>, vector<16xi32>, vector<16xi32>, vector<16xf32>, vector<16xf32>, vector<16xf32>, vector<16xf32>
    }
    %scan3A_364 = arith.constant 79 : i32
    %gather3A_365 = tpu.vector_load_idx %arg5[%scan3A_363#0] : memref<16384xf32, #tpu.memory_space<vmem>>[vector<16xi32>], vector<16xf32>,
    %add3A_366 = arith.addf %scan3A_363#8, %gather3A_365 : vector<16xf32>
    %gather3A_367 = tpu.vector_load_idx %arg5[%scan3A_363#1] : memref<16384xf32, #tpu.memory_space<vmem>>[vector<16xi32>], vector<16xf32>,
    %add3A_368 = arith.addf %scan3A_363#9, %gather3A_367 : vector<16xf32>
    %gather3A_369 = tpu.vector_load_idx %arg5[%scan3A_363#2] : memref<16384xf32, #tpu.memory_space<vmem>>[vector<16xi32>], vector<16xf32>,
    %add3A_370 = arith.addf %scan3A_363#10, %gather3A_369 : vector<16xf32>
    %gather3A_371 = tpu.vector_load_idx %arg5[%scan3A_363#3] : memref<16384xf32, #tpu.memory_space<vmem>>[vector<16xi32>], vector<16xf32>,
    %add3A_372 = arith.addf %scan3A_363#11, %gather3A_371 : vector<16xf32>
    %gather3A_373 = tpu.vector_load_idx %arg5[%scan3A_363#4] : memref<16384xf32, #tpu.memory_space<vmem>>[vector<16xi32>], vector<16xf32>,
    %add3A_374 = arith.addf %add3A_366, %gather3A_373 : vector<16xf32>
    %gather3A_375 = tpu.vector_load_idx %arg5[%scan3A_363#5] : memref<16384xf32, #tpu.memory_space<vmem>>[vector<16xi32>], vector<16xf32>,
    %add3A_376 = arith.addf %add3A_368, %gather3A_375 : vector<16xf32>
    %gather3A_377 = tpu.vector_load_idx %arg5[%scan3A_363#6] : memref<16384xf32, #tpu.memory_space<vmem>>[vector<16xi32>], vector<16xf32>,
    %add3A_378 = arith.addf %add3A_370, %gather3A_377 : vector<16xf32>
    %gather3A_379 = tpu.vector_load_idx %arg5[%scan3A_363#7] : memref<16384xf32, #tpu.memory_space<vmem>>[vector<16xi32>], vector<16xf32>,
    %add3A_380 = arith.addf %add3A_372, %gather3A_379 : vector<16xf32>
    %dma_start3A_381 = arith.constant 160 : i32
    %dma_start3A_382 = tpu.memref_slice %arg2[%dma_start3A_381, %mul3A_2] : memref<200x16384xi32, #tpu.memory_space<hbm>> -> memref<40x512xi32, #tpu.memory_space<hbm>>
    %dma_start3A_383 = arith.constant 160 : i32
    %dma_start3A_384 = tpu.memref_slice %arg2[%dma_start3A_383, %mul3A_2] : memref<200x16384xi32, #tpu.memory_space<hbm>> -> memref<40x512xi32, #tpu.memory_space<hbm>>
    tpu.enqueue_dma source(%dma_start3A_384 : memref<40x512xi32, #tpu.memory_space<hbm>>) target(%arg6 : memref<40x512xi32, #tpu.memory_space<vmem>>) target_semaphore(%arg9 : memref<!tpu.dma_semaphore, #tpu.memory_space<semaphore_mem>>)
    %dma_wait3A_385 = arith.constant 120 : i32
    %dma_wait3A_386 = tpu.memref_slice %arg2[%dma_wait3A_385, %mul3A_2] : memref<200x16384xi32, #tpu.memory_space<hbm>> -> memref<40x512xi32, #tpu.memory_space<hbm>>
    %dma_wait3A_387 = arith.constant 120 : i32
    %dma_wait3A_388 = tpu.memref_slice %arg2[%dma_wait3A_387, %mul3A_2] : memref<200x16384xi32, #tpu.memory_space<hbm>> -> memref<40x512xi32, #tpu.memory_space<hbm>>
    tpu.wait_dma2 semaphore(%arg10 : memref<!tpu.dma_semaphore, #tpu.memory_space<semaphore_mem>>) src(%dma_wait3A_388 : memref<40x512xi32, #tpu.memory_space<hbm>>) dst(%arg7 : memref<40x512xi32, #tpu.memory_space<vmem>>)
    %get3A_389 = arith.constant 0 : i32
    %get3A_390 = arith.index_cast %get3A_389 : i32 to index
    %get3A_391 = arith.constant 0 : index
    %get3A_392 = tpu.vector_load %arg7[%get3A_390, %get3A_391] {strides = array<i32>} : memref<40x512xi32, #tpu.memory_space<vmem>>, vector<16xi32>,
    %get3A_393 = arith.constant 0 : i32
    %get3A_394 = arith.index_cast %get3A_393 : i32 to index
    %get3A_395 = arith.constant 16 : index
    %get3A_396 = tpu.vector_load %arg7[%get3A_394, %get3A_395] {strides = array<i32>} : memref<40x512xi32, #tpu.memory_space<vmem>>, vector<16xi32>,
    %mul3A_397 = arith.constant 128 : i32
    %mul3A_398 = vector.broadcast %mul3A_397 : i32 to vector<16xi32>
    %mul3A_399 = arith.muli %get3A_392, %mul3A_398 : vector<16xi32>
    %add3A_400 = arith.addi %mul3A_399, %get3A_396 : vector<16xi32>
    %get3A_401 = arith.constant 0 : i32
    %get3A_402 = arith.index_cast %get3A_401 : i32 to index
    %get3A_403 = arith.constant 32 : index
    %get3A_404 = tpu.vector_load %arg7[%get3A_402, %get3A_403] {strides = array<i32>} : memref<40x512xi32, #tpu.memory_space<vmem>>, vector<16xi32>,
    %get3A_405 = arith.constant 0 : i32
    %get3A_406 = arith.index_cast %get3A_405 : i32 to index
    %get3A_407 = arith.constant 48 : index
    %get3A_408 = tpu.vector_load %arg7[%get3A_406, %get3A_407] {strides = array<i32>} : memref<40x512xi32, #tpu.memory_space<vmem>>, vector<16xi32>,
    %mul3A_409 = arith.constant 128 : i32
    %mul3A_410 = vector.broadcast %mul3A_409 : i32 to vector<16xi32>
    %mul3A_411 = arith.muli %get3A_404, %mul3A_410 : vector<16xi32>
    %add3A_412 = arith.addi %mul3A_411, %get3A_408 : vector<16xi32>
    %get3A_413 = arith.constant 0 : i32
    %get3A_414 = arith.index_cast %get3A_413 : i32 to index
    %get3A_415 = arith.constant 64 : index
    %get3A_416 = tpu.vector_load %arg7[%get3A_414, %get3A_415] {strides = array<i32>} : memref<40x512xi32, #tpu.memory_space<vmem>>, vector<16xi32>,
    %get3A_417 = arith.constant 0 : i32
    %get3A_418 = arith.index_cast %get3A_417 : i32 to index
    %get3A_419 = arith.constant 80 : index
    %get3A_420 = tpu.vector_load %arg7[%get3A_418, %get3A_419] {strides = array<i32>} : memref<40x512xi32, #tpu.memory_space<vmem>>, vector<16xi32>,
    %mul3A_421 = arith.constant 128 : i32
    %mul3A_422 = vector.broadcast %mul3A_421 : i32 to vector<16xi32>
    %mul3A_423 = arith.muli %get3A_416, %mul3A_422 : vector<16xi32>
    %add3A_424 = arith.addi %mul3A_423, %get3A_420 : vector<16xi32>
    %get3A_425 = arith.constant 0 : i32
    %get3A_426 = arith.index_cast %get3A_425 : i32 to index
    %get3A_427 = arith.constant 96 : index
    %get3A_428 = tpu.vector_load %arg7[%get3A_426, %get3A_427] {strides = array<i32>} : memref<40x512xi32, #tpu.memory_space<vmem>>, vector<16xi32>,
    %get3A_429 = arith.constant 0 : i32
    %get3A_430 = arith.index_cast %get3A_429 : i32 to index
    %get3A_431 = arith.constant 112 : index
    %get3A_432 = tpu.vector_load %arg7[%get3A_430, %get3A_431] {strides = array<i32>} : memref<40x512xi32, #tpu.memory_space<vmem>>, vector<16xi32>,
    %mul3A_433 = arith.constant 128 : i32
    %mul3A_434 = vector.broadcast %mul3A_433 : i32 to vector<16xi32>
    %mul3A_435 = arith.muli %get3A_428, %mul3A_434 : vector<16xi32>
    %add3A_436 = arith.addi %mul3A_435, %get3A_432 : vector<16xi32>
    %get3A_437 = arith.constant 0 : i32
    %get3A_438 = arith.index_cast %get3A_437 : i32 to index
    %get3A_439 = arith.constant 128 : index
    %get3A_440 = tpu.vector_load %arg7[%get3A_438, %get3A_439] {strides = array<i32>} : memref<40x512xi32, #tpu.memory_space<vmem>>, vector<16xi32>,
    %get3A_441 = arith.constant 0 : i32
    %get3A_442 = arith.index_cast %get3A_441 : i32 to index
    %get3A_443 = arith.constant 144 : index
    %get3A_444 = tpu.vector_load %arg7[%get3A_442, %get3A_443] {strides = array<i32>} : memref<40x512xi32, #tpu.memory_space<vmem>>, vector<16xi32>,
    %mul3A_445 = arith.constant 128 : i32
    %mul3A_446 = vector.broadcast %mul3A_445 : i32 to vector<16xi32>
    %mul3A_447 = arith.muli %get3A_440, %mul3A_446 : vector<16xi32>
    %add3A_448 = arith.addi %mul3A_447, %get3A_444 : vector<16xi32>
    %get3A_449 = arith.constant 0 : i32
    %get3A_450 = arith.index_cast %get3A_449 : i32 to index
    %get3A_451 = arith.constant 160 : index
    %get3A_452 = tpu.vector_load %arg7[%get3A_450, %get3A_451] {strides = array<i32>} : memref<40x512xi32, #tpu.memory_space<vmem>>, vector<16xi32>,
    %get3A_453 = arith.constant 0 : i32
    %get3A_454 = arith.index_cast %get3A_453 : i32 to index
    %get3A_455 = arith.constant 176 : index
    %get3A_456 = tpu.vector_load %arg7[%get3A_454, %get3A_455] {strides = array<i32>} : memref<40x512xi32, #tpu.memory_space<vmem>>, vector<16xi32>,
    %mul3A_457 = arith.constant 128 : i32
    %mul3A_458 = vector.broadcast %mul3A_457 : i32 to vector<16xi32>
    %mul3A_459 = arith.muli %get3A_452, %mul3A_458 : vector<16xi32>
    %add3A_460 = arith.addi %mul3A_459, %get3A_456 : vector<16xi32>
    %get3A_461 = arith.constant 0 : i32
    %get3A_462 = arith.index_cast %get3A_461 : i32 to index
    %get3A_463 = arith.constant 192 : index
    %get3A_464 = tpu.vector_load %arg7[%get3A_462, %get3A_463] {strides = array<i32>} : memref<40x512xi32, #tpu.memory_space<vmem>>, vector<16xi32>,
    %get3A_465 = arith.constant 0 : i32
    %get3A_466 = arith.index_cast %get3A_465 : i32 to index
    %get3A_467 = arith.constant 208 : index
    %get3A_468 = tpu.vector_load %arg7[%get3A_466, %get3A_467] {strides = array<i32>} : memref<40x512xi32, #tpu.memory_space<vmem>>, vector<16xi32>,
    %mul3A_469 = arith.constant 128 : i32
    %mul3A_470 = vector.broadcast %mul3A_469 : i32 to vector<16xi32>
    %mul3A_471 = arith.muli %get3A_464, %mul3A_470 : vector<16xi32>
    %add3A_472 = arith.addi %mul3A_471, %get3A_468 : vector<16xi32>
    %get3A_473 = arith.constant 0 : i32
    %get3A_474 = arith.index_cast %get3A_473 : i32 to index
    %get3A_475 = arith.constant 224 : index
    %get3A_476 = tpu.vector_load %arg7[%get3A_474, %get3A_475] {strides = array<i32>} : memref<40x512xi32, #tpu.memory_space<vmem>>, vector<16xi32>,
    %get3A_477 = arith.constant 0 : i32
    %get3A_478 = arith.index_cast %get3A_477 : i32 to index
    %get3A_479 = arith.constant 240 : index
    %get3A_480 = tpu.vector_load %arg7[%get3A_478, %get3A_479] {strides = array<i32>} : memref<40x512xi32, #tpu.memory_space<vmem>>, vector<16xi32>,
    %mul3A_481 = arith.constant 128 : i32
    %mul3A_482 = vector.broadcast %mul3A_481 : i32 to vector<16xi32>
    %mul3A_483 = arith.muli %get3A_476, %mul3A_482 : vector<16xi32>
    %add3A_484 = arith.addi %mul3A_483, %get3A_480 : vector<16xi32>
    %scan3A_485 = arith.constant 0 : i32
    %scan3A_486 = arith.constant 79 : i32
    %scan3A_487 = arith.addi %scan3A_485, %scan3A_486 : i32
    %scan3A_488 = arith.constant 1 : i32
    %scan3A_489:12 = scf.for %scan3A_635 = %scan3A_485 to %scan3A_487 step %scan3A_488 iter_args(%scan3A_636 = %add3A_400, %scan3A_637 = %add3A_412, %scan3A_638 = %add3A_424, %scan3A_639 = %add3A_436, %scan3A_640 = %add3A_448, %scan3A_641 = %add3A_460, %scan3A_642 = %add3A_472, %scan3A_643 = %add3A_484, %scan3A_644 = %add3A_374, %scan3A_645 = %add3A_376, %scan3A_646 = %add3A_378, %scan3A_647 = %add3A_380) -> (vector<16xi32>, vector<16xi32>, vector<16xi32>, vector<16xi32>, vector<16xi32>, vector<16xi32>, vector<16xi32>, vector<16xi32>, vector<16xf32>, vector<16xf32>, vector<16xf32>, vector<16xf32>)  : i32 {
      %gather3A_648 = tpu.vector_load_idx %arg5[%scan3A_636] : memref<16384xf32, #tpu.memory_space<vmem>>[vector<16xi32>], vector<16xf32>,
      %add3A_649 = arith.addf %scan3A_644, %gather3A_648 : vector<16xf32>
      %gather3A_650 = tpu.vector_load_idx %arg5[%scan3A_637] : memref<16384xf32, #tpu.memory_space<vmem>>[vector<16xi32>], vector<16xf32>,
      %add3A_651 = arith.addf %scan3A_645, %gather3A_650 : vector<16xf32>
      %gather3A_652 = tpu.vector_load_idx %arg5[%scan3A_638] : memref<16384xf32, #tpu.memory_space<vmem>>[vector<16xi32>], vector<16xf32>,
      %add3A_653 = arith.addf %scan3A_646, %gather3A_652 : vector<16xf32>
      %gather3A_654 = tpu.vector_load_idx %arg5[%scan3A_639] : memref<16384xf32, #tpu.memory_space<vmem>>[vector<16xi32>], vector<16xf32>,
      %add3A_655 = arith.addf %scan3A_647, %gather3A_654 : vector<16xf32>
      %gather3A_656 = tpu.vector_load_idx %arg5[%scan3A_640] : memref<16384xf32, #tpu.memory_space<vmem>>[vector<16xi32>], vector<16xf32>,
      %add3A_657 = arith.addf %add3A_649, %gather3A_656 : vector<16xf32>
      %gather3A_658 = tpu.vector_load_idx %arg5[%scan3A_641] : memref<16384xf32, #tpu.memory_space<vmem>>[vector<16xi32>], vector<16xf32>,
      %add3A_659 = arith.addf %add3A_651, %gather3A_658 : vector<16xf32>
      %gather3A_660 = tpu.vector_load_idx %arg5[%scan3A_642] : memref<16384xf32, #tpu.memory_space<vmem>>[vector<16xi32>], vector<16xf32>,
      %add3A_661 = arith.addf %add3A_653, %gather3A_660 : vector<16xf32>
      %gather3A_662 = tpu.vector_load_idx %arg5[%scan3A_643] : memref<16384xf32, #tpu.memory_space<vmem>>[vector<16xi32>], vector<16xf32>,
      %add3A_663 = arith.addf %add3A_655, %gather3A_662 : vector<16xf32>
      %add3A_664 = arith.constant 1 : i32
      %add3A_665 = arith.addi %scan3A_635, %add3A_664 : i32
      %shift_right_logical3A = arith.constant 1 : i32
      %shift_right_logical3A_666 = arith.shrui %add3A_665, %shift_right_logical3A : i32
      %and3A = arith.constant 1 : i32
      %and3A_667 = arith.andi %add3A_665, %and3A : i32
      %shift_left3A = arith.constant 8 : i32
      %shift_left3A_668 = arith.shli %and3A_667, %shift_left3A : i32
      %add3A_669 = arith.constant 0 : i32
      %add3A_670 = arith.addi %shift_left3A_668, %add3A_669 : i32
      %get3A_671 = arith.index_cast %shift_right_logical3A_666 : i32 to index
      %get3A_672 = arith.index_cast %add3A_670 : i32 to index
      %get3A_673 = tpu.vector_load %arg7[%get3A_671, %get3A_672] {strides = array<i32>} : memref<40x512xi32, #tpu.memory_space<vmem>>, vector<16xi32>,
      %add3A_674 = arith.constant 16 : i32
      %add3A_675 = arith.addi %shift_left3A_668, %add3A_674 : i32
      %get3A_676 = arith.index_cast %shift_right_logical3A_666 : i32 to index
      %get3A_677 = arith.index_cast %add3A_675 : i32 to index
      %get3A_678 = tpu.vector_load %arg7[%get3A_676, %get3A_677] {strides = array<i32>} : memref<40x512xi32, #tpu.memory_space<vmem>>, vector<16xi32>,
      %mul3A_679 = arith.constant 128 : i32
      %mul3A_680 = vector.broadcast %mul3A_679 : i32 to vector<16xi32>
      %mul3A_681 = arith.muli %get3A_673, %mul3A_680 : vector<16xi32>
      %add3A_682 = arith.addi %mul3A_681, %get3A_678 : vector<16xi32>
      %add3A_683 = arith.constant 32 : i32
      %add3A_684 = arith.addi %shift_left3A_668, %add3A_683 : i32
      %get3A_685 = arith.index_cast %shift_right_logical3A_666 : i32 to index
      %get3A_686 = arith.index_cast %add3A_684 : i32 to index
      %get3A_687 = tpu.vector_load %arg7[%get3A_685, %get3A_686] {strides = array<i32>} : memref<40x512xi32, #tpu.memory_space<vmem>>, vector<16xi32>,
      %add3A_688 = arith.constant 48 : i32
      %add3A_689 = arith.addi %shift_left3A_668, %add3A_688 : i32
      %get3A_690 = arith.index_cast %shift_right_logical3A_666 : i32 to index
      %get3A_691 = arith.index_cast %add3A_689 : i32 to index
      %get3A_692 = tpu.vector_load %arg7[%get3A_690, %get3A_691] {strides = array<i32>} : memref<40x512xi32, #tpu.memory_space<vmem>>, vector<16xi32>,
      %mul3A_693 = arith.constant 128 : i32
      %mul3A_694 = vector.broadcast %mul3A_693 : i32 to vector<16xi32>
      %mul3A_695 = arith.muli %get3A_687, %mul3A_694 : vector<16xi32>
      %add3A_696 = arith.addi %mul3A_695, %get3A_692 : vector<16xi32>
      %add3A_697 = arith.constant 64 : i32
      %add3A_698 = arith.addi %shift_left3A_668, %add3A_697 : i32
      %get3A_699 = arith.index_cast %shift_right_logical3A_666 : i32 to index
      %get3A_700 = arith.index_cast %add3A_698 : i32 to index
      %get3A_701 = tpu.vector_load %arg7[%get3A_699, %get3A_700] {strides = array<i32>} : memref<40x512xi32, #tpu.memory_space<vmem>>, vector<16xi32>,
      %add3A_702 = arith.constant 80 : i32
      %add3A_703 = arith.addi %shift_left3A_668, %add3A_702 : i32
      %get3A_704 = arith.index_cast %shift_right_logical3A_666 : i32 to index
      %get3A_705 = arith.index_cast %add3A_703 : i32 to index
      %get3A_706 = tpu.vector_load %arg7[%get3A_704, %get3A_705] {strides = array<i32>} : memref<40x512xi32, #tpu.memory_space<vmem>>, vector<16xi32>,
      %mul3A_707 = arith.constant 128 : i32
      %mul3A_708 = vector.broadcast %mul3A_707 : i32 to vector<16xi32>
      %mul3A_709 = arith.muli %get3A_701, %mul3A_708 : vector<16xi32>
      %add3A_710 = arith.addi %mul3A_709, %get3A_706 : vector<16xi32>
      %add3A_711 = arith.constant 96 : i32
      %add3A_712 = arith.addi %shift_left3A_668, %add3A_711 : i32
      %get3A_713 = arith.index_cast %shift_right_logical3A_666 : i32 to index
      %get3A_714 = arith.index_cast %add3A_712 : i32 to index
      %get3A_715 = tpu.vector_load %arg7[%get3A_713, %get3A_714] {strides = array<i32>} : memref<40x512xi32, #tpu.memory_space<vmem>>, vector<16xi32>,
      %add3A_716 = arith.constant 112 : i32
      %add3A_717 = arith.addi %shift_left3A_668, %add3A_716 : i32
      %get3A_718 = arith.index_cast %shift_right_logical3A_666 : i32 to index
      %get3A_719 = arith.index_cast %add3A_717 : i32 to index
      %get3A_720 = tpu.vector_load %arg7[%get3A_718, %get3A_719] {strides = array<i32>} : memref<40x512xi32, #tpu.memory_space<vmem>>, vector<16xi32>,
      %mul3A_721 = arith.constant 128 : i32
      %mul3A_722 = vector.broadcast %mul3A_721 : i32 to vector<16xi32>
      %mul3A_723 = arith.muli %get3A_715, %mul3A_722 : vector<16xi32>
      %add3A_724 = arith.addi %mul3A_723, %get3A_720 : vector<16xi32>
      %add3A_725 = arith.constant 128 : i32
      %add3A_726 = arith.addi %shift_left3A_668, %add3A_725 : i32
      %get3A_727 = arith.index_cast %shift_right_logical3A_666 : i32 to index
      %get3A_728 = arith.index_cast %add3A_726 : i32 to index
      %get3A_729 = tpu.vector_load %arg7[%get3A_727, %get3A_728] {strides = array<i32>} : memref<40x512xi32, #tpu.memory_space<vmem>>, vector<16xi32>,
      %add3A_730 = arith.constant 144 : i32
      %add3A_731 = arith.addi %shift_left3A_668, %add3A_730 : i32
      %get3A_732 = arith.index_cast %shift_right_logical3A_666 : i32 to index
      %get3A_733 = arith.index_cast %add3A_731 : i32 to index
      %get3A_734 = tpu.vector_load %arg7[%get3A_732, %get3A_733] {strides = array<i32>} : memref<40x512xi32, #tpu.memory_space<vmem>>, vector<16xi32>,
      %mul3A_735 = arith.constant 128 : i32
      %mul3A_736 = vector.broadcast %mul3A_735 : i32 to vector<16xi32>
      %mul3A_737 = arith.muli %get3A_729, %mul3A_736 : vector<16xi32>
      %add3A_738 = arith.addi %mul3A_737, %get3A_734 : vector<16xi32>
      %add3A_739 = arith.constant 160 : i32
      %add3A_740 = arith.addi %shift_left3A_668, %add3A_739 : i32
      %get3A_741 = arith.index_cast %shift_right_logical3A_666 : i32 to index
      %get3A_742 = arith.index_cast %add3A_740 : i32 to index
      %get3A_743 = tpu.vector_load %arg7[%get3A_741, %get3A_742] {strides = array<i32>} : memref<40x512xi32, #tpu.memory_space<vmem>>, vector<16xi32>,
      %add3A_744 = arith.constant 176 : i32
      %add3A_745 = arith.addi %shift_left3A_668, %add3A_744 : i32
      %get3A_746 = arith.index_cast %shift_right_logical3A_666 : i32 to index
      %get3A_747 = arith.index_cast %add3A_745 : i32 to index
      %get3A_748 = tpu.vector_load %arg7[%get3A_746, %get3A_747] {strides = array<i32>} : memref<40x512xi32, #tpu.memory_space<vmem>>, vector<16xi32>,
      %mul3A_749 = arith.constant 128 : i32
      %mul3A_750 = vector.broadcast %mul3A_749 : i32 to vector<16xi32>
      %mul3A_751 = arith.muli %get3A_743, %mul3A_750 : vector<16xi32>
      %add3A_752 = arith.addi %mul3A_751, %get3A_748 : vector<16xi32>
      %add3A_753 = arith.constant 192 : i32
      %add3A_754 = arith.addi %shift_left3A_668, %add3A_753 : i32
      %get3A_755 = arith.index_cast %shift_right_logical3A_666 : i32 to index
      %get3A_756 = arith.index_cast %add3A_754 : i32 to index
      %get3A_757 = tpu.vector_load %arg7[%get3A_755, %get3A_756] {strides = array<i32>} : memref<40x512xi32, #tpu.memory_space<vmem>>, vector<16xi32>,
      %add3A_758 = arith.constant 208 : i32
      %add3A_759 = arith.addi %shift_left3A_668, %add3A_758 : i32
      %get3A_760 = arith.index_cast %shift_right_logical3A_666 : i32 to index
      %get3A_761 = arith.index_cast %add3A_759 : i32 to index
      %get3A_762 = tpu.vector_load %arg7[%get3A_760, %get3A_761] {strides = array<i32>} : memref<40x512xi32, #tpu.memory_space<vmem>>, vector<16xi32>,
      %mul3A_763 = arith.constant 128 : i32
      %mul3A_764 = vector.broadcast %mul3A_763 : i32 to vector<16xi32>
      %mul3A_765 = arith.muli %get3A_757, %mul3A_764 : vector<16xi32>
      %add3A_766 = arith.addi %mul3A_765, %get3A_762 : vector<16xi32>
      %add3A_767 = arith.constant 224 : i32
      %add3A_768 = arith.addi %shift_left3A_668, %add3A_767 : i32
      %get3A_769 = arith.index_cast %shift_right_logical3A_666 : i32 to index
      %get3A_770 = arith.index_cast %add3A_768 : i32 to index
      %get3A_771 = tpu.vector_load %arg7[%get3A_769, %get3A_770] {strides = array<i32>} : memref<40x512xi32, #tpu.memory_space<vmem>>, vector<16xi32>,
      %add3A_772 = arith.constant 240 : i32
      %add3A_773 = arith.addi %shift_left3A_668, %add3A_772 : i32
      %get3A_774 = arith.index_cast %shift_right_logical3A_666 : i32 to index
      %get3A_775 = arith.index_cast %add3A_773 : i32 to index
      %get3A_776 = tpu.vector_load %arg7[%get3A_774, %get3A_775] {strides = array<i32>} : memref<40x512xi32, #tpu.memory_space<vmem>>, vector<16xi32>,
      %mul3A_777 = arith.constant 128 : i32
      %mul3A_778 = vector.broadcast %mul3A_777 : i32 to vector<16xi32>
      %mul3A_779 = arith.muli %get3A_771, %mul3A_778 : vector<16xi32>
      %add3A_780 = arith.addi %mul3A_779, %get3A_776 : vector<16xi32>
      scf.yield %add3A_682, %add3A_696, %add3A_710, %add3A_724, %add3A_738, %add3A_752, %add3A_766, %add3A_780, %add3A_657, %add3A_659, %add3A_661, %add3A_663 : vector<16xi32>, vector<16xi32>, vector<16xi32>, vector<16xi32>, vector<16xi32>, vector<16xi32>, vector<16xi32>, vector<16xi32>, vector<16xf32>, vector<16xf32>, vector<16xf32>, vector<16xf32>
    }
    %scan3A_490 = arith.constant 79 : i32
    %gather3A_491 = tpu.vector_load_idx %arg5[%scan3A_489#0] : memref<16384xf32, #tpu.memory_space<vmem>>[vector<16xi32>], vector<16xf32>,
    %add3A_492 = arith.addf %scan3A_489#8, %gather3A_491 : vector<16xf32>
    %gather3A_493 = tpu.vector_load_idx %arg5[%scan3A_489#1] : memref<16384xf32, #tpu.memory_space<vmem>>[vector<16xi32>], vector<16xf32>,
    %add3A_494 = arith.addf %scan3A_489#9, %gather3A_493 : vector<16xf32>
    %gather3A_495 = tpu.vector_load_idx %arg5[%scan3A_489#2] : memref<16384xf32, #tpu.memory_space<vmem>>[vector<16xi32>], vector<16xf32>,
    %add3A_496 = arith.addf %scan3A_489#10, %gather3A_495 : vector<16xf32>
    %gather3A_497 = tpu.vector_load_idx %arg5[%scan3A_489#3] : memref<16384xf32, #tpu.memory_space<vmem>>[vector<16xi32>], vector<16xf32>,
    %add3A_498 = arith.addf %scan3A_489#11, %gather3A_497 : vector<16xf32>
    %gather3A_499 = tpu.vector_load_idx %arg5[%scan3A_489#4] : memref<16384xf32, #tpu.memory_space<vmem>>[vector<16xi32>], vector<16xf32>,
    %add3A_500 = arith.addf %add3A_492, %gather3A_499 : vector<16xf32>
    %gather3A_501 = tpu.vector_load_idx %arg5[%scan3A_489#5] : memref<16384xf32, #tpu.memory_space<vmem>>[vector<16xi32>], vector<16xf32>,
    %add3A_502 = arith.addf %add3A_494, %gather3A_501 : vector<16xf32>
    %gather3A_503 = tpu.vector_load_idx %arg5[%scan3A_489#6] : memref<16384xf32, #tpu.memory_space<vmem>>[vector<16xi32>], vector<16xf32>,
    %add3A_504 = arith.addf %add3A_496, %gather3A_503 : vector<16xf32>
    %gather3A_505 = tpu.vector_load_idx %arg5[%scan3A_489#7] : memref<16384xf32, #tpu.memory_space<vmem>>[vector<16xi32>], vector<16xf32>,
    %add3A_506 = arith.addf %add3A_498, %gather3A_505 : vector<16xf32>
    %dma_wait3A_507 = arith.constant 160 : i32
    %dma_wait3A_508 = tpu.memref_slice %arg2[%dma_wait3A_507, %mul3A_2] : memref<200x16384xi32, #tpu.memory_space<hbm>> -> memref<40x512xi32, #tpu.memory_space<hbm>>
    %dma_wait3A_509 = arith.constant 160 : i32
    %dma_wait3A_510 = tpu.memref_slice %arg2[%dma_wait3A_509, %mul3A_2] : memref<200x16384xi32, #tpu.memory_space<hbm>> -> memref<40x512xi32, #tpu.memory_space<hbm>>
    tpu.wait_dma2 semaphore(%arg9 : memref<!tpu.dma_semaphore, #tpu.memory_space<semaphore_mem>>) src(%dma_wait3A_510 : memref<40x512xi32, #tpu.memory_space<hbm>>) dst(%arg6 : memref<40x512xi32, #tpu.memory_space<vmem>>)
    %get3A_511 = arith.constant 0 : i32
    %get3A_512 = arith.index_cast %get3A_511 : i32 to index
    %get3A_513 = arith.constant 0 : index
    %get3A_514 = tpu.vector_load %arg6[%get3A_512, %get3A_513] {strides = array<i32>} : memref<40x512xi32, #tpu.memory_space<vmem>>, vector<16xi32>,
    %get3A_515 = arith.constant 0 : i32
    %get3A_516 = arith.index_cast %get3A_515 : i32 to index
    %get3A_517 = arith.constant 16 : index
    %get3A_518 = tpu.vector_load %arg6[%get3A_516, %get3A_517] {strides = array<i32>} : memref<40x512xi32, #tpu.memory_space<vmem>>, vector<16xi32>,
    %mul3A_519 = arith.constant 128 : i32
    %mul3A_520 = vector.broadcast %mul3A_519 : i32 to vector<16xi32>
    %mul3A_521 = arith.muli %get3A_514, %mul3A_520 : vector<16xi32>
    %add3A_522 = arith.addi %mul3A_521, %get3A_518 : vector<16xi32>
    %get3A_523 = arith.constant 0 : i32
    %get3A_524 = arith.index_cast %get3A_523 : i32 to index
    %get3A_525 = arith.constant 32 : index
    %get3A_526 = tpu.vector_load %arg6[%get3A_524, %get3A_525] {strides = array<i32>} : memref<40x512xi32, #tpu.memory_space<vmem>>, vector<16xi32>,
    %get3A_527 = arith.constant 0 : i32
    %get3A_528 = arith.index_cast %get3A_527 : i32 to index
    %get3A_529 = arith.constant 48 : index
    %get3A_530 = tpu.vector_load %arg6[%get3A_528, %get3A_529] {strides = array<i32>} : memref<40x512xi32, #tpu.memory_space<vmem>>, vector<16xi32>,
    %mul3A_531 = arith.constant 128 : i32
    %mul3A_532 = vector.broadcast %mul3A_531 : i32 to vector<16xi32>
    %mul3A_533 = arith.muli %get3A_526, %mul3A_532 : vector<16xi32>
    %add3A_534 = arith.addi %mul3A_533, %get3A_530 : vector<16xi32>
    %get3A_535 = arith.constant 0 : i32
    %get3A_536 = arith.index_cast %get3A_535 : i32 to index
    %get3A_537 = arith.constant 64 : index
    %get3A_538 = tpu.vector_load %arg6[%get3A_536, %get3A_537] {strides = array<i32>} : memref<40x512xi32, #tpu.memory_space<vmem>>, vector<16xi32>,
    %get3A_539 = arith.constant 0 : i32
    %get3A_540 = arith.index_cast %get3A_539 : i32 to index
    %get3A_541 = arith.constant 80 : index
    %get3A_542 = tpu.vector_load %arg6[%get3A_540, %get3A_541] {strides = array<i32>} : memref<40x512xi32, #tpu.memory_space<vmem>>, vector<16xi32>,
    %mul3A_543 = arith.constant 128 : i32
    %mul3A_544 = vector.broadcast %mul3A_543 : i32 to vector<16xi32>
    %mul3A_545 = arith.muli %get3A_538, %mul3A_544 : vector<16xi32>
    %add3A_546 = arith.addi %mul3A_545, %get3A_542 : vector<16xi32>
    %get3A_547 = arith.constant 0 : i32
    %get3A_548 = arith.index_cast %get3A_547 : i32 to index
    %get3A_549 = arith.constant 96 : index
    %get3A_550 = tpu.vector_load %arg6[%get3A_548, %get3A_549] {strides = array<i32>} : memref<40x512xi32, #tpu.memory_space<vmem>>, vector<16xi32>,
    %get3A_551 = arith.constant 0 : i32
    %get3A_552 = arith.index_cast %get3A_551 : i32 to index
    %get3A_553 = arith.constant 112 : index
    %get3A_554 = tpu.vector_load %arg6[%get3A_552, %get3A_553] {strides = array<i32>} : memref<40x512xi32, #tpu.memory_space<vmem>>, vector<16xi32>,
    %mul3A_555 = arith.constant 128 : i32
    %mul3A_556 = vector.broadcast %mul3A_555 : i32 to vector<16xi32>
    %mul3A_557 = arith.muli %get3A_550, %mul3A_556 : vector<16xi32>
    %add3A_558 = arith.addi %mul3A_557, %get3A_554 : vector<16xi32>
    %get3A_559 = arith.constant 0 : i32
    %get3A_560 = arith.index_cast %get3A_559 : i32 to index
    %get3A_561 = arith.constant 128 : index
    %get3A_562 = tpu.vector_load %arg6[%get3A_560, %get3A_561] {strides = array<i32>} : memref<40x512xi32, #tpu.memory_space<vmem>>, vector<16xi32>,
    %get3A_563 = arith.constant 0 : i32
    %get3A_564 = arith.index_cast %get3A_563 : i32 to index
    %get3A_565 = arith.constant 144 : index
    %get3A_566 = tpu.vector_load %arg6[%get3A_564, %get3A_565] {strides = array<i32>} : memref<40x512xi32, #tpu.memory_space<vmem>>, vector<16xi32>,
    %mul3A_567 = arith.constant 128 : i32
    %mul3A_568 = vector.broadcast %mul3A_567 : i32 to vector<16xi32>
    %mul3A_569 = arith.muli %get3A_562, %mul3A_568 : vector<16xi32>
    %add3A_570 = arith.addi %mul3A_569, %get3A_566 : vector<16xi32>
    %get3A_571 = arith.constant 0 : i32
    %get3A_572 = arith.index_cast %get3A_571 : i32 to index
    %get3A_573 = arith.constant 160 : index
    %get3A_574 = tpu.vector_load %arg6[%get3A_572, %get3A_573] {strides = array<i32>} : memref<40x512xi32, #tpu.memory_space<vmem>>, vector<16xi32>,
    %get3A_575 = arith.constant 0 : i32
    %get3A_576 = arith.index_cast %get3A_575 : i32 to index
    %get3A_577 = arith.constant 176 : index
    %get3A_578 = tpu.vector_load %arg6[%get3A_576, %get3A_577] {strides = array<i32>} : memref<40x512xi32, #tpu.memory_space<vmem>>, vector<16xi32>,
    %mul3A_579 = arith.constant 128 : i32
    %mul3A_580 = vector.broadcast %mul3A_579 : i32 to vector<16xi32>
    %mul3A_581 = arith.muli %get3A_574, %mul3A_580 : vector<16xi32>
    %add3A_582 = arith.addi %mul3A_581, %get3A_578 : vector<16xi32>
    %get3A_583 = arith.constant 0 : i32
    %get3A_584 = arith.index_cast %get3A_583 : i32 to index
    %get3A_585 = arith.constant 192 : index
    %get3A_586 = tpu.vector_load %arg6[%get3A_584, %get3A_585] {strides = array<i32>} : memref<40x512xi32, #tpu.memory_space<vmem>>, vector<16xi32>,
    %get3A_587 = arith.constant 0 : i32
    %get3A_588 = arith.index_cast %get3A_587 : i32 to index
    %get3A_589 = arith.constant 208 : index
    %get3A_590 = tpu.vector_load %arg6[%get3A_588, %get3A_589] {strides = array<i32>} : memref<40x512xi32, #tpu.memory_space<vmem>>, vector<16xi32>,
    %mul3A_591 = arith.constant 128 : i32
    %mul3A_592 = vector.broadcast %mul3A_591 : i32 to vector<16xi32>
    %mul3A_593 = arith.muli %get3A_586, %mul3A_592 : vector<16xi32>
    %add3A_594 = arith.addi %mul3A_593, %get3A_590 : vector<16xi32>
    %get3A_595 = arith.constant 0 : i32
    %get3A_596 = arith.index_cast %get3A_595 : i32 to index
    %get3A_597 = arith.constant 224 : index
    %get3A_598 = tpu.vector_load %arg6[%get3A_596, %get3A_597] {strides = array<i32>} : memref<40x512xi32, #tpu.memory_space<vmem>>, vector<16xi32>,
    %get3A_599 = arith.constant 0 : i32
    %get3A_600 = arith.index_cast %get3A_599 : i32 to index
    %get3A_601 = arith.constant 240 : index
    %get3A_602 = tpu.vector_load %arg6[%get3A_600, %get3A_601] {strides = array<i32>} : memref<40x512xi32, #tpu.memory_space<vmem>>, vector<16xi32>,
    %mul3A_603 = arith.constant 128 : i32
    %mul3A_604 = vector.broadcast %mul3A_603 : i32 to vector<16xi32>
    %mul3A_605 = arith.muli %get3A_598, %mul3A_604 : vector<16xi32>
    %add3A_606 = arith.addi %mul3A_605, %get3A_602 : vector<16xi32>
    %scan3A_607 = arith.constant 0 : i32
    %scan3A_608 = arith.constant 79 : i32
    %scan3A_609 = arith.addi %scan3A_607, %scan3A_608 : i32
    %scan3A_610 = arith.constant 1 : i32
    %scan3A_611:12 = scf.for %scan3A_635 = %scan3A_607 to %scan3A_609 step %scan3A_610 iter_args(%scan3A_636 = %add3A_522, %scan3A_637 = %add3A_534, %scan3A_638 = %add3A_546, %scan3A_639 = %add3A_558, %scan3A_640 = %add3A_570, %scan3A_641 = %add3A_582, %scan3A_642 = %add3A_594, %scan3A_643 = %add3A_606, %scan3A_644 = %add3A_500, %scan3A_645 = %add3A_502, %scan3A_646 = %add3A_504, %scan3A_647 = %add3A_506) -> (vector<16xi32>, vector<16xi32>, vector<16xi32>, vector<16xi32>, vector<16xi32>, vector<16xi32>, vector<16xi32>, vector<16xi32>, vector<16xf32>, vector<16xf32>, vector<16xf32>, vector<16xf32>)  : i32 {
      %gather3A_648 = tpu.vector_load_idx %arg5[%scan3A_636] : memref<16384xf32, #tpu.memory_space<vmem>>[vector<16xi32>], vector<16xf32>,
      %add3A_649 = arith.addf %scan3A_644, %gather3A_648 : vector<16xf32>
      %gather3A_650 = tpu.vector_load_idx %arg5[%scan3A_637] : memref<16384xf32, #tpu.memory_space<vmem>>[vector<16xi32>], vector<16xf32>,
      %add3A_651 = arith.addf %scan3A_645, %gather3A_650 : vector<16xf32>
      %gather3A_652 = tpu.vector_load_idx %arg5[%scan3A_638] : memref<16384xf32, #tpu.memory_space<vmem>>[vector<16xi32>], vector<16xf32>,
      %add3A_653 = arith.addf %scan3A_646, %gather3A_652 : vector<16xf32>
      %gather3A_654 = tpu.vector_load_idx %arg5[%scan3A_639] : memref<16384xf32, #tpu.memory_space<vmem>>[vector<16xi32>], vector<16xf32>,
      %add3A_655 = arith.addf %scan3A_647, %gather3A_654 : vector<16xf32>
      %gather3A_656 = tpu.vector_load_idx %arg5[%scan3A_640] : memref<16384xf32, #tpu.memory_space<vmem>>[vector<16xi32>], vector<16xf32>,
      %add3A_657 = arith.addf %add3A_649, %gather3A_656 : vector<16xf32>
      %gather3A_658 = tpu.vector_load_idx %arg5[%scan3A_641] : memref<16384xf32, #tpu.memory_space<vmem>>[vector<16xi32>], vector<16xf32>,
      %add3A_659 = arith.addf %add3A_651, %gather3A_658 : vector<16xf32>
      %gather3A_660 = tpu.vector_load_idx %arg5[%scan3A_642] : memref<16384xf32, #tpu.memory_space<vmem>>[vector<16xi32>], vector<16xf32>,
      %add3A_661 = arith.addf %add3A_653, %gather3A_660 : vector<16xf32>
      %gather3A_662 = tpu.vector_load_idx %arg5[%scan3A_643] : memref<16384xf32, #tpu.memory_space<vmem>>[vector<16xi32>], vector<16xf32>,
      %add3A_663 = arith.addf %add3A_655, %gather3A_662 : vector<16xf32>
      %add3A_664 = arith.constant 1 : i32
      %add3A_665 = arith.addi %scan3A_635, %add3A_664 : i32
      %shift_right_logical3A = arith.constant 1 : i32
      %shift_right_logical3A_666 = arith.shrui %add3A_665, %shift_right_logical3A : i32
      %and3A = arith.constant 1 : i32
      %and3A_667 = arith.andi %add3A_665, %and3A : i32
      %shift_left3A = arith.constant 8 : i32
      %shift_left3A_668 = arith.shli %and3A_667, %shift_left3A : i32
      %add3A_669 = arith.constant 0 : i32
      %add3A_670 = arith.addi %shift_left3A_668, %add3A_669 : i32
      %get3A_671 = arith.index_cast %shift_right_logical3A_666 : i32 to index
      %get3A_672 = arith.index_cast %add3A_670 : i32 to index
      %get3A_673 = tpu.vector_load %arg6[%get3A_671, %get3A_672] {strides = array<i32>} : memref<40x512xi32, #tpu.memory_space<vmem>>, vector<16xi32>,
      %add3A_674 = arith.constant 16 : i32
      %add3A_675 = arith.addi %shift_left3A_668, %add3A_674 : i32
      %get3A_676 = arith.index_cast %shift_right_logical3A_666 : i32 to index
      %get3A_677 = arith.index_cast %add3A_675 : i32 to index
      %get3A_678 = tpu.vector_load %arg6[%get3A_676, %get3A_677] {strides = array<i32>} : memref<40x512xi32, #tpu.memory_space<vmem>>, vector<16xi32>,
      %mul3A_679 = arith.constant 128 : i32
      %mul3A_680 = vector.broadcast %mul3A_679 : i32 to vector<16xi32>
      %mul3A_681 = arith.muli %get3A_673, %mul3A_680 : vector<16xi32>
      %add3A_682 = arith.addi %mul3A_681, %get3A_678 : vector<16xi32>
      %add3A_683 = arith.constant 32 : i32
      %add3A_684 = arith.addi %shift_left3A_668, %add3A_683 : i32
      %get3A_685 = arith.index_cast %shift_right_logical3A_666 : i32 to index
      %get3A_686 = arith.index_cast %add3A_684 : i32 to index
      %get3A_687 = tpu.vector_load %arg6[%get3A_685, %get3A_686] {strides = array<i32>} : memref<40x512xi32, #tpu.memory_space<vmem>>, vector<16xi32>,
      %add3A_688 = arith.constant 48 : i32
      %add3A_689 = arith.addi %shift_left3A_668, %add3A_688 : i32
      %get3A_690 = arith.index_cast %shift_right_logical3A_666 : i32 to index
      %get3A_691 = arith.index_cast %add3A_689 : i32 to index
      %get3A_692 = tpu.vector_load %arg6[%get3A_690, %get3A_691] {strides = array<i32>} : memref<40x512xi32, #tpu.memory_space<vmem>>, vector<16xi32>,
      %mul3A_693 = arith.constant 128 : i32
      %mul3A_694 = vector.broadcast %mul3A_693 : i32 to vector<16xi32>
      %mul3A_695 = arith.muli %get3A_687, %mul3A_694 : vector<16xi32>
      %add3A_696 = arith.addi %mul3A_695, %get3A_692 : vector<16xi32>
      %add3A_697 = arith.constant 64 : i32
      %add3A_698 = arith.addi %shift_left3A_668, %add3A_697 : i32
      %get3A_699 = arith.index_cast %shift_right_logical3A_666 : i32 to index
      %get3A_700 = arith.index_cast %add3A_698 : i32 to index
      %get3A_701 = tpu.vector_load %arg6[%get3A_699, %get3A_700] {strides = array<i32>} : memref<40x512xi32, #tpu.memory_space<vmem>>, vector<16xi32>,
      %add3A_702 = arith.constant 80 : i32
      %add3A_703 = arith.addi %shift_left3A_668, %add3A_702 : i32
      %get3A_704 = arith.index_cast %shift_right_logical3A_666 : i32 to index
      %get3A_705 = arith.index_cast %add3A_703 : i32 to index
      %get3A_706 = tpu.vector_load %arg6[%get3A_704, %get3A_705] {strides = array<i32>} : memref<40x512xi32, #tpu.memory_space<vmem>>, vector<16xi32>,
      %mul3A_707 = arith.constant 128 : i32
      %mul3A_708 = vector.broadcast %mul3A_707 : i32 to vector<16xi32>
      %mul3A_709 = arith.muli %get3A_701, %mul3A_708 : vector<16xi32>
      %add3A_710 = arith.addi %mul3A_709, %get3A_706 : vector<16xi32>
      %add3A_711 = arith.constant 96 : i32
      %add3A_712 = arith.addi %shift_left3A_668, %add3A_711 : i32
      %get3A_713 = arith.index_cast %shift_right_logical3A_666 : i32 to index
      %get3A_714 = arith.index_cast %add3A_712 : i32 to index
      %get3A_715 = tpu.vector_load %arg6[%get3A_713, %get3A_714] {strides = array<i32>} : memref<40x512xi32, #tpu.memory_space<vmem>>, vector<16xi32>,
      %add3A_716 = arith.constant 112 : i32
      %add3A_717 = arith.addi %shift_left3A_668, %add3A_716 : i32
      %get3A_718 = arith.index_cast %shift_right_logical3A_666 : i32 to index
      %get3A_719 = arith.index_cast %add3A_717 : i32 to index
      %get3A_720 = tpu.vector_load %arg6[%get3A_718, %get3A_719] {strides = array<i32>} : memref<40x512xi32, #tpu.memory_space<vmem>>, vector<16xi32>,
      %mul3A_721 = arith.constant 128 : i32
      %mul3A_722 = vector.broadcast %mul3A_721 : i32 to vector<16xi32>
      %mul3A_723 = arith.muli %get3A_715, %mul3A_722 : vector<16xi32>
      %add3A_724 = arith.addi %mul3A_723, %get3A_720 : vector<16xi32>
      %add3A_725 = arith.constant 128 : i32
      %add3A_726 = arith.addi %shift_left3A_668, %add3A_725 : i32
      %get3A_727 = arith.index_cast %shift_right_logical3A_666 : i32 to index
      %get3A_728 = arith.index_cast %add3A_726 : i32 to index
      %get3A_729 = tpu.vector_load %arg6[%get3A_727, %get3A_728] {strides = array<i32>} : memref<40x512xi32, #tpu.memory_space<vmem>>, vector<16xi32>,
      %add3A_730 = arith.constant 144 : i32
      %add3A_731 = arith.addi %shift_left3A_668, %add3A_730 : i32
      %get3A_732 = arith.index_cast %shift_right_logical3A_666 : i32 to index
      %get3A_733 = arith.index_cast %add3A_731 : i32 to index
      %get3A_734 = tpu.vector_load %arg6[%get3A_732, %get3A_733] {strides = array<i32>} : memref<40x512xi32, #tpu.memory_space<vmem>>, vector<16xi32>,
      %mul3A_735 = arith.constant 128 : i32
      %mul3A_736 = vector.broadcast %mul3A_735 : i32 to vector<16xi32>
      %mul3A_737 = arith.muli %get3A_729, %mul3A_736 : vector<16xi32>
      %add3A_738 = arith.addi %mul3A_737, %get3A_734 : vector<16xi32>
      %add3A_739 = arith.constant 160 : i32
      %add3A_740 = arith.addi %shift_left3A_668, %add3A_739 : i32
      %get3A_741 = arith.index_cast %shift_right_logical3A_666 : i32 to index
      %get3A_742 = arith.index_cast %add3A_740 : i32 to index
      %get3A_743 = tpu.vector_load %arg6[%get3A_741, %get3A_742] {strides = array<i32>} : memref<40x512xi32, #tpu.memory_space<vmem>>, vector<16xi32>,
      %add3A_744 = arith.constant 176 : i32
      %add3A_745 = arith.addi %shift_left3A_668, %add3A_744 : i32
      %get3A_746 = arith.index_cast %shift_right_logical3A_666 : i32 to index
      %get3A_747 = arith.index_cast %add3A_745 : i32 to index
      %get3A_748 = tpu.vector_load %arg6[%get3A_746, %get3A_747] {strides = array<i32>} : memref<40x512xi32, #tpu.memory_space<vmem>>, vector<16xi32>,
      %mul3A_749 = arith.constant 128 : i32
      %mul3A_750 = vector.broadcast %mul3A_749 : i32 to vector<16xi32>
      %mul3A_751 = arith.muli %get3A_743, %mul3A_750 : vector<16xi32>
      %add3A_752 = arith.addi %mul3A_751, %get3A_748 : vector<16xi32>
      %add3A_753 = arith.constant 192 : i32
      %add3A_754 = arith.addi %shift_left3A_668, %add3A_753 : i32
      %get3A_755 = arith.index_cast %shift_right_logical3A_666 : i32 to index
      %get3A_756 = arith.index_cast %add3A_754 : i32 to index
      %get3A_757 = tpu.vector_load %arg6[%get3A_755, %get3A_756] {strides = array<i32>} : memref<40x512xi32, #tpu.memory_space<vmem>>, vector<16xi32>,
      %add3A_758 = arith.constant 208 : i32
      %add3A_759 = arith.addi %shift_left3A_668, %add3A_758 : i32
      %get3A_760 = arith.index_cast %shift_right_logical3A_666 : i32 to index
      %get3A_761 = arith.index_cast %add3A_759 : i32 to index
      %get3A_762 = tpu.vector_load %arg6[%get3A_760, %get3A_761] {strides = array<i32>} : memref<40x512xi32, #tpu.memory_space<vmem>>, vector<16xi32>,
      %mul3A_763 = arith.constant 128 : i32
      %mul3A_764 = vector.broadcast %mul3A_763 : i32 to vector<16xi32>
      %mul3A_765 = arith.muli %get3A_757, %mul3A_764 : vector<16xi32>
      %add3A_766 = arith.addi %mul3A_765, %get3A_762 : vector<16xi32>
      %add3A_767 = arith.constant 224 : i32
      %add3A_768 = arith.addi %shift_left3A_668, %add3A_767 : i32
      %get3A_769 = arith.index_cast %shift_right_logical3A_666 : i32 to index
      %get3A_770 = arith.index_cast %add3A_768 : i32 to index
      %get3A_771 = tpu.vector_load %arg6[%get3A_769, %get3A_770] {strides = array<i32>} : memref<40x512xi32, #tpu.memory_space<vmem>>, vector<16xi32>,
      %add3A_772 = arith.constant 240 : i32
      %add3A_773 = arith.addi %shift_left3A_668, %add3A_772 : i32
      %get3A_774 = arith.index_cast %shift_right_logical3A_666 : i32 to index
      %get3A_775 = arith.index_cast %add3A_773 : i32 to index
      %get3A_776 = tpu.vector_load %arg6[%get3A_774, %get3A_775] {strides = array<i32>} : memref<40x512xi32, #tpu.memory_space<vmem>>, vector<16xi32>,
      %mul3A_777 = arith.constant 128 : i32
      %mul3A_778 = vector.broadcast %mul3A_777 : i32 to vector<16xi32>
      %mul3A_779 = arith.muli %get3A_771, %mul3A_778 : vector<16xi32>
      %add3A_780 = arith.addi %mul3A_779, %get3A_776 : vector<16xi32>
      scf.yield %add3A_682, %add3A_696, %add3A_710, %add3A_724, %add3A_738, %add3A_752, %add3A_766, %add3A_780, %add3A_657, %add3A_659, %add3A_661, %add3A_663 : vector<16xi32>, vector<16xi32>, vector<16xi32>, vector<16xi32>, vector<16xi32>, vector<16xi32>, vector<16xi32>, vector<16xi32>, vector<16xf32>, vector<16xf32>, vector<16xf32>, vector<16xf32>
    }
    %scan3A_612 = arith.constant 79 : i32
    %gather3A_613 = tpu.vector_load_idx %arg5[%scan3A_611#0] : memref<16384xf32, #tpu.memory_space<vmem>>[vector<16xi32>], vector<16xf32>,
    %add3A_614 = arith.addf %scan3A_611#8, %gather3A_613 : vector<16xf32>
    %gather3A_615 = tpu.vector_load_idx %arg5[%scan3A_611#1] : memref<16384xf32, #tpu.memory_space<vmem>>[vector<16xi32>], vector<16xf32>,
    %add3A_616 = arith.addf %scan3A_611#9, %gather3A_615 : vector<16xf32>
    %gather3A_617 = tpu.vector_load_idx %arg5[%scan3A_611#2] : memref<16384xf32, #tpu.memory_space<vmem>>[vector<16xi32>], vector<16xf32>,
    %add3A_618 = arith.addf %scan3A_611#10, %gather3A_617 : vector<16xf32>
    %gather3A_619 = tpu.vector_load_idx %arg5[%scan3A_611#3] : memref<16384xf32, #tpu.memory_space<vmem>>[vector<16xi32>], vector<16xf32>,
    %add3A_620 = arith.addf %scan3A_611#11, %gather3A_619 : vector<16xf32>
    %gather3A_621 = tpu.vector_load_idx %arg5[%scan3A_611#4] : memref<16384xf32, #tpu.memory_space<vmem>>[vector<16xi32>], vector<16xf32>,
    %add3A_622 = arith.addf %add3A_614, %gather3A_621 : vector<16xf32>
    %gather3A_623 = tpu.vector_load_idx %arg5[%scan3A_611#5] : memref<16384xf32, #tpu.memory_space<vmem>>[vector<16xi32>], vector<16xf32>,
    %add3A_624 = arith.addf %add3A_616, %gather3A_623 : vector<16xf32>
    %gather3A_625 = tpu.vector_load_idx %arg5[%scan3A_611#6] : memref<16384xf32, #tpu.memory_space<vmem>>[vector<16xi32>], vector<16xf32>,
    %add3A_626 = arith.addf %add3A_618, %gather3A_625 : vector<16xf32>
    %gather3A_627 = tpu.vector_load_idx %arg5[%scan3A_611#7] : memref<16384xf32, #tpu.memory_space<vmem>>[vector<16xi32>], vector<16xf32>,
    %add3A_628 = arith.addf %add3A_620, %gather3A_627 : vector<16xf32>
    %add3A_629 = arith.addf %add3A_622, %add3A_624 : vector<16xf32>
    %add3A_630 = arith.addf %add3A_626, %add3A_628 : vector<16xf32>
    %add3A_631 = arith.addf %add3A_629, %add3A_630 : vector<16xf32>
    %swap3A = arith.constant 0 : index
    %swap3A_632 = tpu.vector_load %arg8[%swap3A] {strides = array<i32>} : memref<16xf32, #tpu.memory_space<vmem>>, vector<16xf32>,
    tpu.vector_store %arg8[%swap3A], %add3A_631 {strides = array<i32>} : memref<16xf32, #tpu.memory_space<vmem>>, vector<16xf32>,
    %mul3A_633 = arith.constant 16 : i32
    %mul3A_634 = arith.muli %add3A, %mul3A_633 : i32
    "tpu.region"() ({
      %run_scoped3A = tpu.sem_alloc : memref<!tpu.dma_semaphore, #tpu.memory_space<semaphore_mem>>
      %dma_start3A_635 = tpu.memref_slice %arg4[%mul3A_634] : memref<512xf32, #tpu.memory_space<hbm>> -> memref<16xf32, #tpu.memory_space<hbm>>
      %dma_start3A_636 = tpu.memref_slice %arg4[%mul3A_634] : memref<512xf32, #tpu.memory_space<hbm>> -> memref<16xf32, #tpu.memory_space<hbm>>
      tpu.enqueue_dma source(%arg8 : memref<16xf32, #tpu.memory_space<vmem>>) target(%dma_start3A_636 : memref<16xf32, #tpu.memory_space<hbm>>) target_semaphore(%run_scoped3A : memref<!tpu.dma_semaphore, #tpu.memory_space<semaphore_mem>>)
      %dma_wait3A_637 = tpu.memref_slice %arg4[%mul3A_634] : memref<512xf32, #tpu.memory_space<hbm>> -> memref<16xf32, #tpu.memory_space<hbm>>
      %dma_wait3A_638 = tpu.memref_slice %arg4[%mul3A_634] : memref<512xf32, #tpu.memory_space<hbm>> -> memref<16xf32, #tpu.memory_space<hbm>>
      tpu.wait_dma2 semaphore(%run_scoped3A : memref<!tpu.dma_semaphore, #tpu.memory_space<semaphore_mem>>) src(%arg8 : memref<16xf32, #tpu.memory_space<vmem>>) dst(%dma_wait3A_638 : memref<16xf32, #tpu.memory_space<hbm>>)
      tpu.yield
    }) : () -> ()
    return
  }
}

</mosaic_0001>

<sc_bundles>
// kernel: _sc_lookup_sum.3.cloned.1.call-start
scs
__scs_entry_jumppad:
0x0: {  	(pc) =	sbr.rel $0x88, $3  }
0x1: {  	(tag) =	ssettag $0x0;
	lr =	simm.s32 $0x1  }
0x2: {  	[smem:$0x3F9F] =	sst lr;
	_ =	strace $0xD0000000  }
0x3: {  	_ = 	snop  }
0x4: {  	_ = 	snop  }
0x5: {  	_ = 	snop  }
0x6: {  	_ = 	snop  }
0x7: {  	_ = 	snop  }
__scs_overlays_trampoline_lowered:
0x8: {  	[smem:$0x3FAE] =	sst s0  }
0x9: {  	[smem:$0x3FAF] =	sst s1  }
0xa: {  	[smem:$0x3FB0] =	sst s2  }
0xb: {  	[smem:$0x3FB1] =	sst s3  }
0xc: {  	[smem:$0x3FB2] =	sst s4  }
0xd: {  	[smem:$0x3FB3] =	sst s5  }
0xe: {  	[smem:$0x3FB4] =	sst s6  }
0xf: {  	[smem:$0x3FB5] =	sst s7  }
0x10: {  	[smem:$0x3FB6] =	sst s8  }
0x11: {  	[smem:$0x3FB7] =	sst s9;
	s0 =	simm.s32 @!p0 $0x0  }
0x12: {  	s1 =	sld [smem:$0x3F9D];
	s0 =	simm.s32 @p0 $0x1  }
0x13: {  	[smem:$0x3FB8] =	sst s0;
	s0 =	simm.s32 @!p1 $0x0  }
0x14: {  	s2 =	sld [smem:$0x3F9C];
	s0 =	simm.s32 @p1 $0x1  }
0x15: {  	[smem:$0x3FB9] =	sst s0;
	s0 =	simm.s32 @!p2 $0x0  }
0x16: {  	s3 =	sld [smem:$0x3FDB];
	s0 =	simm.s32 @p2 $0x1  }
0x17: {  	s4 =	simm.s32 $0x1BF5;
	[smem:$0x3FBB] =	sst s0  }
0x18: {  	s0 =	sld [smem:$0x3F9E];
	_ =	swait.ge [sflag:s4], $0x0  }
0x19: {  	s7 =	sld [smem:$0x3F9F]  }
0x1a: {  	s8 =	sadd.s32 $0xFFFFE003, lr  }
0x1b: {  	s9 =	sadd.s32 $0xFFFFFEF7, lr;
	s5 =	simm.s32 $0xFFFFFFFF;
	p2 =	slt.u32 s8, $0xFFFFF086  }
0x1c: {  	p1 =	slt.u32 s9, $0xF7A;
	s5 =	simm.s32 @!p2 $0x0  }
0x1d: {  	s5 =	simm.s32 @p1 $0x1;
	p0 =	seq.s32 s7, s2  }
0x1e: {  	s7 =	smul.u32 @!p0 $0xF7A, s2;
	p2 =	seq.s32 @!p0 s5, $0x0  }
0x1f: {  	s9 =	smul.u32 $0xF7A, s1;
	s8 =	simm.s32 @!p0 $0x1BF5;
	p2 =	por !p2, p0  }
0x20: {  	[sflag:s8] =	ssyncset.s32 @!p0 $0xFFFFF086;
	s6 =	sadd.s32 @!p0 s3, s7;
	s7 =	simm.s32 @!p0 $0x108  }
0x21: {  	s3 =	sadd.s32 s3, s9;
	s6 =	sadd.s32 @!p0 $0x88, s6;
	s7 =	simm.s32 @p2 $0x1082  }
0x22: {  	[simem:s7], [sflag:s8] =	dma.local @!p0 [hbm:s6], $0xF7A  }
0x23: {  	s9 =	sor.u32 $0xD0000000, s2;
	s6 =	simm.s32 $0x108;
	_ =	swait.ge @!p0 [sflag:s8], $0x0  }
0x24: {  	s3 =	sadd.s32 $0x88, s3;
	s6 =	simm.s32 @!p1 $0x1082;
	[sflag:s4] =	ssyncset.s32 $0xFFFFF086  }
0x25: {  	[simem:s6], [sflag:s4] =	dma.local [hbm:s3], $0xF7A  }
0x26: {  	[smem:$0x3F9F] =	sst s1;
	(tag) =	ssettag s2;
	_ =	strace s9  }
0x27: {  	s1 =	sld [smem:$0x3FAF]  }
0x28: {  	s2 =	sld [smem:$0x3FB0]  }
0x29: {  	s4 =	sld [smem:$0x3FB2]  }
0x2a: {  	p0 =	seq.s32 s5, $0x0;
	s5 =	sld [smem:$0x3FB3]  }
0x2b: {  	s6 =	sld [smem:$0x3FB4]  }
0x2c: {  	s7 =	sld [smem:$0x3FB5]  }
0x2d: {  	s3 =	simm.s32 $0x108;
	s8 =	sld [smem:$0x3FB6]  }
0x2e: {  	s3 =	simm.s32 @!p0 $0x1082;
	s9 =	sld [smem:$0x3FB7]  }
0x2f: {  	lr =	sadd.s32 s0, s3;
	s0 =	sld [smem:$0x3FAE]  }
0x30: {  	s3 =	sld [smem:$0x3FB1]  }
0x31: {  	[smem:$0x3FBA] =	sst s10  }
0x32: {  	s10 =	sld [smem:$0x3FB8];
	_ =	sdelay $0x3  }
0x33: {  	p0 =	seq.s32 s10, $0x1;
	s10 =	sld [smem:$0x3FBA];
	_ =	sdelay $0x3  }
0x34: {  	[smem:$0x3FBA] =	sst s10  }
0x35: {  	s10 =	sld [smem:$0x3FB9];
	_ =	sdelay $0x3  }
0x36: {  	p1 =	seq.s32 s10, $0x1;
	s10 =	sld [smem:$0x3FBA];
	_ =	sdelay $0x3  }
0x37: {  	[smem:$0x3FBA] =	sst s10  }
0x38: {  	s10 =	sld [smem:$0x3FBB]  }
0x39: {  	_ = 	snop;
	(pc) =	sbr.ind lr, $3  }
0x3a: {  	_ = 	snop  }
0x3b: {  	_ = 	snop  }
0x3c: {  	p2 =	seq.s32 s10, $0x1;
	s10 =	sld [smem:$0x3FBA]  }
0x3d: {  	_ =	shalt  }
0x3e: {  	_ =	shalt  }
0x3f: {  	_ =	shalt  }
0x40: {  	_ =	shalt  }
0x41: {  	_ =	shalt  }
0x42: {  	_ =	shalt  }
0x43: {  	_ =	shalt  }
0x44: {  	_ =	shalt  }
0x45: {  	_ =	shalt  }
0x46: {  	_ =	shalt  }
0x47: {  	_ =	shalt  }
0x48: {  	_ =	shalt  }
0x49: {  	_ =	shalt  }
0x4a: {  	_ =	shalt  }
0x4b: {  	_ =	shalt  }
0x4c: {  	_ =	shalt  }
0x4d: {  	_ =	shalt  }
0x4e: {  	_ =	shalt  }
0x4f: {  	_ =	shalt  }
0x50: {  	_ =	shalt  }
0x51: {  	_ =	shalt  }
0x52: {  	_ =	shalt  }
0x53: {  	_ =	shalt  }
0x54: {  	_ =	shalt  }
0x55: {  	_ =	shalt  }
0x56: {  	_ =	shalt  }
0x57: {  	_ =	shalt  }
0x58: {  	_ =	shalt  }
0x59: {  	_ =	shalt  }
0x5a: {  	_ =	shalt  }
0x5b: {  	_ =	shalt  }
0x5c: {  	_ =	shalt  }
0x5d: {  	_ =	shalt  }
0x5e: {  	_ =	shalt  }
0x5f: {  	_ =	shalt  }
0x60: {  	_ =	shalt  }
0x61: {  	_ =	shalt  }
0x62: {  	_ =	shalt  }
0x63: {  	_ =	shalt  }
0x64: {  	_ =	shalt  }
0x65: {  	_ =	shalt  }
0x66: {  	_ =	shalt  }
0x67: {  	_ =	shalt  }
0x68: {  	_ =	shalt  }
0x69: {  	_ =	shalt  }
0x6a: {  	_ =	shalt  }
0x6b: {  	_ =	shalt  }
0x6c: {  	_ =	shalt  }
0x6d: {  	_ =	shalt  }
0x6e: {  	_ =	shalt  }
0x6f: {  	_ =	shalt  }
0x70: {  	_ =	shalt  }
0x71: {  	_ =	shalt  }
0x72: {  	_ =	shalt  }
0x73: {  	_ =	shalt  }
0x74: {  	_ =	shalt  }
0x75: {  	_ =	shalt  }
0x76: {  	_ =	shalt  }
0x77: {  	_ =	shalt  }
0x78: {  	_ =	shalt  }
0x79: {  	_ =	shalt  }
0x7a: {  	_ =	shalt  }
0x7b: {  	_ =	shalt  }
0x7c: {  	_ =	shalt  }
0x7d: {  	_ =	shalt  }
0x7e: {  	_ =	shalt  }
0x7f: {  	_ =	shalt  }
0x80: {  	_ =	shalt  }
0x81: {  	_ =	shalt  }
0x82: {  	_ =	shalt  }
0x83: {  	_ =	shalt  }
0x84: {  	_ =	shalt  }
0x85: {  	_ =	shalt  }
0x86: {  	_ =	shalt  }
0x87: {  	_ =	shalt  }
.Lfunc_end0:
.L_simem_size_0:
called_computation_lowered:
.L_overlay_start_0:
0x88: {  	s2 =	sld [smem:$0x3FD9]  }
0x89: {  	s3 =	sld [smem:$0x3FFE];
	_ =	sdelay $0x1  }
0x8a: {  	s1 =	srdreg.scid  }
0x8b: {  	s0 =	sand.u32 $0x1, s1  }
0x8c: {  	s18 =	sshll.u32 s0, $0xA;
	s2 =	sadd.s32 s3, s2  }
0x8d: {  	s2 =	sadd.s32 s2, s18  }
0x8e: {  	[smem:$0x3FC6] =	sst s2  }
0x8f: {  	_ = 	snop  }
0x90: {  	s2 =	sld [smem:$0x3FC9]  }
0x91: {  	s19 =	sld [smem:$0x3FC8]  }
0x92: {  	s4 =	sld [smem:$0x3FD0];
	(tm) =	ssettm $0x1  }
0x93: {  	s5 =	sld [smem:$0x3FFB];
	_ =	sdelay $0x3  }
0x94: {  	_ =	strace s5  }
0x95: {  	s5 =	sld [smem:$0x3FFC];
	_ =	sdelay $0x3  }
0x96: {  	_ =	strace s5  }
0x97: {  	s5 =	sld [smem:$0x3FFD];
	_ =	sdelay $0x3  }
0x98: {  	_ =	strace s5  }
0x99: {  	_ =	strace $0x8FFFFFFF  }
0x9a: {  	s20 =	sld [smem:$0x3FDB];
	_ =	sdelay $0x1  }
0x9b: {  	s6 =	simm.s32 $_scs_section_size  }
0x9c: {  	s7 =	simm.s32 $_size__tile_overlayer_lowered;
	s8 =	simm.s32 $_tile_overlayer_lowered  }
0x9d: {  	s23 =	simm.s32 $0x1BFF;
	s22 =	sshll.u32 s8, $0x1;
	s5 =	sadd.s32 s6, s20  }
0x9e: {  	s9 =	simm.s32 $0x0;
	s21 =	sshll.u32 s7, $0x1;
	s7 =	sadd.s32 s22, s5  }
0x9f: {  	[timem:s9], [sflag:s23] =	dma.local [hbm:s7], s21  }
0xa0: {  	_ =	swait.ge [sflag:s23], s21  }
0xa1: {  	s6 =	ssub.s32 $0x0, s21;
	[sflag:s23] =	ssyncset.done $0x0  }
0xa2: {  	[sflag:s23] =	ssyncadd.s32 s6;
	_ =	sdelay $0x1  }
0xa3: {  	s24 =	simm.s32 $0x1B8B  }
0xa4: {  	_ =	swait.ge [sflag:s24], $0x1  }
0xa5: {  	[sflag:s24] =	ssyncset.done $0x0  }
0xa6: {  	s25 =	simm.s32 $0x1B8E;
	[sflag:s24] =	ssyncadd.s32 $0xFFFFFFFF  }
0xa7: {  	s26 =	simm.s32 $execute0_lowered;
	[smem:$0x3FD2] =	sst s25  }
0xa8: {  	s6 =	sshll.u32 s26, $0x1;
	_ =	strace $0x80000046;
	[dreg:$0x1] =	wrdreg $0xFFFFFFFF  }
0xa9: {  	s28 =	simm.s32 $_size_execute0_lowered;
	s5 =	sadd.s32 s5, s6;
	[dreg:$0x0] =	wrdreg $0x0  }
0xaa: {  	s6 =	sshll.u32 s28, $0x1;
	[dreg:$0x2] =	wrdreg s5  }
0xab: {  	[dreg:$0x3] =	wrdreg s6  }
0xac: {  	[dreg:$0x4] =	wrdreg $0xC0  }
0xad: {  	_ =	task [dreg:s9], $0x5FFFF  }
0xae: {  	[dreg:$0x1] =	wrdreg $0xFFFFFFFF  }
0xaf: {  	[dreg:$0x0] =	wrdreg $0x60  }
0xb0: {  	[dreg:$0x2] =	wrdreg s2  }
0xb1: {  	[dreg:$0x3] =	wrdreg s19  }
0xb2: {  	[dreg:$0x4] =	wrdreg s4  }
0xb3: {  	[dreg:$0x5] =	wrdreg $0x9  }
0xb4: {  	_ =	task.clear_ibuf [dreg:s9], $0x6FFFF;
	_ =	strace $0x90000046  }
0xb5: {  	s29 =	simm.s32 $0x9;
	_ =	strace $0x80000048  }
0xb6: {  	_ =	swait.ge [sflag:s29], $0x1  }
0xb7: {  	[sflag:s29] =	ssyncadd.s32 $0xFFFFFFFF  }
0xb8: {  	_ =	strace $0x90000048  }
0xb9: {  	_ =	sfence  }
0xba: {  	s30 =	sld [smem:$0x0];
	_ =	sdelay $0x2  }
0xbb: {  	s31 =	sshll.u32 s1, $0xD;
	s1 =	sshrl.u32 s1, $0x2  }
0xbc: {  	s3 =	sand.u32 $0x4000, s31;
	s1 =	sadd.s32 s1, s30  }
0xbd: {  	s0 =	sor.u32 s3, s0;
	s1 =	sshll.u32 s1, $0x11  }
0xbe: {  	s0 =	sor.u32 s1, s0  }
0xbf: {  	s0 =	sadd.s32 $0x8F2B, s0  }
0xc0: {  	[sflag:s0] =	ssyncadd.remote.s32 $0x1  }
0xc1: {  	_ =	sfence.sel $0xFFFF  }
0xc2: {  	[dreg:$0x0] =	wrdreg $0xFFFFFFFF;
	(pc) =	sbr.abs _section_cstart, $3  }
0xc3: {  	[dreg:$0x1] =	wrdreg $0xFFFFFFFF  }
0xc4: {  	_ =	task.clear_ibuf [dreg:s9], $0x2FFFF;
	_ =	strace $0x9FFFFFFF  }
0xc5: {  	(tm) =	ssettm $0x7FFFFFFF  }
tec
execute0_lowered:
.L_overlay_start_1:
0x0: {  	(tag) =	ssettag $0x1  }
0x1: {  	s4 =	rddreg [dreg:$0x0]  }
0x2: {  	s2 =	rddreg [dreg:$0x1];
	s1 =	srdreg.scid  }
0x3: {  	s0 =	stileid.u32;
	s9 =	rddreg [dreg:$0x2];
	s12 =	simm.s32 $0x20000  }
0x4: {  	s13 =	simm.s32 $0x4000;
	s14 =	simm.s32 $0x9000;
	s15 =	simm.s32 $0x3  }
0x5: {  	s16 =	simm.s32 $0x1;
	s17 =	simm.s32 $0x2;
	s18 =	simm.s32 $0xE000  }
0x6: {  	s19 =	simm.s32 $0x0;
	s5 =	sand.u32 $0x1, s1;
	s3 =	sshll.u32 s0, $0x1  }
0x7: {  	s1 =	rddreg [dreg:$0x3];
	s8 =	sor.u32 s5, s3;
	s3 =	simm.s32 $0x0  }
0x8: {  	s5 =	ssub.s32 $0x2, s5;
	s6 =	sshll.u32 s8, $0x9;
	[smem:$0x7FF] =	sst s3  }
0x9: {  	s7 =	sshrl.u32 s5, $0x1;
	s11 =	sshll.u32 s8, $0x1;
	s4 =	sadd.s32 s4, s6  }
0xa: {  	_ =	strace $0x80000047;
	s10 =	ssub.s32 s5, s7;
	s9 =	sadd.s32 s9, s11  }
0xb: {  	s11 =	simm.s32 $0x1000;
	s5 =	sadd.s32 $0x14000, s4;
	s6 =	sadd.s32 $0x28000, s4  }
0xc: {  	s7 =	sadd.s32 $0x3C000, s4;
	s8 =	sadd.s32 $0x50000, s4;
	s10 =	smax.u32 s10, $0x1  }
.LBB2_1:
0xd: {  	[tilespmem:s13], [sflag:$0x1] =	stream.strided.gather [hbm4b:s4+s11], $0x5000, s12, s11, $0x38;
	[tilespmem:$0xE080] =	vst v63  }
0xe: {  	_ = 	snop  }
0xf: {  	[tilespmem:s14], [sflag:$0x2] =	stream.strided.gather [hbm4b:s5+s11], $0x5000, s12, s11, $0x38;
	[tilespmem:$0xE080] =	vst v63  }
0x10: {  	_ = 	snop  }
0x11: {  	[tilespmem:s3], [sflag:$0x3] =	stream.linear.gather [hbm4b:s2+s3], $0x4000, $0x38;
	[tilespmem:$0xE080] =	vst v63  }
0x12: {  	_ =	swait.ge [sflag:s15], $0x4000  }
0x13: {  	[sflag:s15] =	ssyncset.done $0x0  }
0x14: {  	[sflag:s15] =	ssyncadd.s32 $0xFFFFC000  }
0x15: {  	_ =	swait.ge [sflag:s16], $0x5000  }
0x16: {  	[sflag:s16] =	ssyncset.done $0x0  }
0x17: {  	[sflag:s16] =	ssyncadd.s32 $0xFFFFB000  }
0x18: {  	v0 =	vld [tilespmem:$0x4000]  }
0x19: {  	v1 =	vld [tilespmem:$0x4010]  }
0x1a: {  	v2 =	vld [tilespmem:$0x4020]  }
0x1b: {  	v3 =	vld [tilespmem:$0x4030]  }
0x1c: {  	v4 =	vld [tilespmem:$0x4040]  }
0x1d: {  	v6 =	vld [tilespmem:$0x4050]  }
0x1e: {  	v5 =	vld [tilespmem:$0x4400]  }
0x1f: {  	v7 =	vld [tilespmem:$0x4410]  }
0x20: {  	v8 =	vld [tilespmem:$0x4420]  }
0x21: {  	v9 =	vld [tilespmem:$0x4430]  }
0x22: {  	v10 =	vld [tilespmem:$0x4060]  }
0x23: {  	s21 =	simm.s32 $0x2000;
	v11 =	vld [tilespmem:$0x4070]  }
0x24: {  	s20 =	simm.s32 $0x100;
	s23 =	sand.u32 $0x2000, s21;
	v14 =	vld [tilespmem:$0x4440];
	v5 =	vshll.u32 v5, $0x7  }
0x25: {  	s22 =	simm.s32 $0x40;
	s20 =	sand.u32 $0xF000, s20;
	s23 =	sshrl.u32 s23, $0x2;
	v15 =	vld [tilespmem:$0x4460];
	v13 =	vadd.s32 v7, v5;
	v5 =	vshll.u32 v8, $0x7  }
0x26: {  	s24 =	sand.u32 $0x380, s22;
	s20 =	sor.u32 s23, s20;
	v0 =	vshll.u32 v0, $0x7;
	v8 =	vld [tilespmem:$0x4450];
	v9 =	vadd.s32 v9, v5  }
0x27: {  	s20 =	sor.u32 s24, s20;
	v1 =	vadd.s32 v1, v0;
	v0 =	vshll.u32 v2, $0x7;
	v2 =	vld [tilespmem:$0x4470]  }
0x28: {  	v7 =	vld [tilespmem:s20+$0x4010];
	v3 =	vadd.s32 v3, v0;
	v0 =	vshll.u32 v4, $0x7  }
0x29: {  	v5 =	vld [tilespmem:s20+$0x4030];
	v12 =	vadd.s32 v6, v0;
	v0 =	vshll.u32 v10, $0x7  }
0x2a: {  	v6 =	vld.idx.msk [tilespmem:v13+s3+$0x0], $0xffff;
	v13 =	vadd.s32 v11, v0;
	v0 =	vshll.u32 v14, $0x7  }
0x2b: {  	v11 =	vshll.u32 v15, $0x7;
	v4 =	vld.idx.msk [tilespmem:v9+s3+$0x0], $0xffff;
	v10 =	vadd.s32 v8, v0  }
0x2c: {  	v11 =	vadd.s32 v2, v11;
	v0 =	vimm.f32 $0.0e+00;
	v8 =	vld.idx.msk [tilespmem:v1+s3+$0x0], $0xffff  }
0x2d: {  	s23 =	simm.s32 $0x200;
	v9 =	vld.idx.msk [tilespmem:v3+s3+$0x0], $0xffff;
	v2 =	vimm.f32 $0.0e+00;
	v3 =	vimm.f32 $0.0e+00;
	v1 =	vimm.f32 $0.0e+00  }
.LBB2_2:
0x2e: {  	p0 =	sne.s32 s23, $0x4F00;
	v12 =	vld.idx.msk [tilespmem:v12+s3+$0x0], $0xffff  }
0x2f: {  	v13 =	vld.idx.msk [tilespmem:v13+s3+$0x0], $0xffff  }
0x30: {  	v10 =	vld.idx.msk [tilespmem:v10+s3+$0x0], $0xffff  }
0x31: {  	v11 =	vld.idx.msk [tilespmem:v11+s3+$0x0], $0xffff  }
0x32: {  	v14 =	vld [tilespmem:s20+$0x4050]  }
0x33: {  	v15 =	vld [tilespmem:s20+$0x4070]  }
0x34: {  	v0 =	vadd.f32 v8, v0;
	v2 =	vadd.f32 v9, v2;
	v8 =	vld [tilespmem:s20+$0x4410]  }
0x35: {  	v3 =	vadd.f32 v12, v3;
	v1 =	vadd.f32 v13, v1;
	v9 =	vld [tilespmem:s20+$0x4430]  }
0x36: {  	v0 =	vadd.f32 v6, v0;
	v2 =	vadd.f32 v4, v2;
	v16 =	vld [tilespmem:s20+$0x4450]  }
0x37: {  	v3 =	vadd.f32 v10, v3;
	v1 =	vadd.f32 v11, v1;
	v4 =	vld [tilespmem:s20+$0x4400]  }
0x38: {  	v6 =	vld [tilespmem:s20+$0x4420]  }
0x39: {  	v10 =	vld [tilespmem:s20+$0x4000]  }
0x3a: {  	v11 =	vld [tilespmem:s20+$0x4020]  }
0x3b: {  	s21 =	sadd.s32 $0x2000, s21;
	v12 =	vld [tilespmem:s20+$0x4040]  }
0x3c: {  	s24 =	sand.u32 $0x2000, s21;
	v13 =	vld [tilespmem:s20+$0x4060];
	v4 =	vshll.u32 v4, $0x7  }
0x3d: {  	s25 =	sand.u32 $0xF000, s23;
	s22 =	sadd.s32 $0x40, s22;
	s24 =	sshrl.u32 s24, $0x2;
	v4 =	vadd.s32 v8, v4;
	v6 =	vshll.u32 v6, $0x7;
	v8 =	vld [tilespmem:s20+$0x4440]  }
0x3e: {  	s26 =	sand.u32 $0x380, s22;
	s24 =	sor.u32 s24, s25;
	v10 =	vshll.u32 v10, $0x7;
	v9 =	vadd.s32 v9, v6;
	v17 =	vld [tilespmem:s20+$0x4460]  }
0x3f: {  	v18 =	vadd.s32 v7, v10;
	v6 =	vshll.u32 v11, $0x7;
	v11 =	vld [tilespmem:s20+$0x4470];
	s20 =	sor.u32 s26, s24  }
0x40: {  	v7 =	vld [tilespmem:s20+$0x4010];
	v19 =	vadd.s32 v5, v6;
	v6 =	vshll.u32 v12, $0x7  }
.Ltmp0:
0x41: {  	v5 =	vld [tilespmem:s20+$0x4030];
	v12 =	vadd.s32 v14, v6;
	v10 =	vshll.u32 v13, $0x7;
	(pc) =	sbr.rel @p0 .LBB2_2-.Ltmp0, $4  }
0x42: {  	v6 =	vld.idx.msk [tilespmem:v4+s3+$0x0], $0xffff;
	v13 =	vadd.s32 v15, v10;
	v8 =	vshll.u32 v8, $0x7  }
0x43: {  	v4 =	vld.idx.msk [tilespmem:v9+s3+$0x0], $0xffff;
	v10 =	vadd.s32 v16, v8;
	v9 =	vshll.u32 v17, $0x7  }
0x44: {  	v8 =	vld.idx.msk [tilespmem:v18+s3+$0x0], $0xffff;
	v11 =	vadd.s32 v11, v9  }
0x45: {  	s23 =	sadd.s32 $0x100, s23;
	v9 =	vld.idx.msk [tilespmem:v19+s3+$0x0], $0xffff  }
0x46: {  	_ =	sdelay $0x3  }
0x47: {  	v12 =	vld.idx.msk [tilespmem:v12+s3+$0x0], $0xffff  }
0x48: {  	v13 =	vld.idx.msk [tilespmem:v13+s3+$0x0], $0xffff  }
0x49: {  	v14 =	vld [tilespmem:s20+$0x4050]  }
0x4a: {  	v15 =	vld [tilespmem:s20+$0x4070]  }
0x4b: {  	v16 =	vld [tilespmem:s20+$0x4410]  }
0x4c: {  	v17 =	vld [tilespmem:s20+$0x4430]  }
0x4d: {  	v18 =	vld [tilespmem:s20+$0x4450]  }
0x4e: {  	v19 =	vld [tilespmem:s20+$0x4000]  }
0x4f: {  	v20 =	vld [tilespmem:s20+$0x4020]  }
0x50: {  	v21 =	vld [tilespmem:s20+$0x4040]  }
0x51: {  	v22 =	vld [tilespmem:s20+$0x4060]  }
0x52: {  	v23 =	vld [tilespmem:s20+$0x4400]  }
0x53: {  	v24 =	vld [tilespmem:s20+$0x4420];
	v19 =	vshll.u32 v19, $0x7  }
0x54: {  	v25 =	vld [tilespmem:s20+$0x4440];
	v44 =	vshll.u32 v20, $0x7;
	v7 =	vadd.s32 v7, v19  }
0x55: {  	v45 =	vld [tilespmem:s20+$0x4460];
	v46 =	vshll.u32 v21, $0x7;
	v5 =	vadd.s32 v5, v44  }
0x56: {  	v47 =	vld [tilespmem:s20+$0x4470];
	v48 =	vshll.u32 v22, $0x7;
	v14 =	vadd.s32 v14, v46  }
0x57: {  	v10 =	vld.idx.msk [tilespmem:v10+s3+$0x0], $0xffff;
	v49 =	vshll.u32 v23, $0x7;
	v15 =	vadd.s32 v15, v48  }
0x58: {  	v11 =	vld.idx.msk [tilespmem:v11+s3+$0x0], $0xffff;
	v50 =	vshll.u32 v24, $0x7;
	v16 =	vadd.s32 v16, v49  }
0x59: {  	v51 =	vshll.u32 v25, $0x7;
	v17 =	vadd.s32 v17, v50;
	v7 =	vld.idx.msk [tilespmem:v7+s3+$0x0], $0xffff  }
0x5a: {  	v52 =	vshll.u32 v45, $0x7;
	v18 =	vadd.s32 v18, v51;
	v5 =	vld.idx.msk [tilespmem:v5+s3+$0x0], $0xffff  }
0x5b: {  	v19 =	vadd.s32 v47, v52;
	v14 =	vld.idx.msk [tilespmem:v14+s3+$0x0], $0xffff  }
0x5c: {  	v15 =	vld.idx.msk [tilespmem:v15+s3+$0x0], $0xffff  }
0x5d: {  	v16 =	vld.idx.msk [tilespmem:v16+s3+$0x0], $0xffff  }
0x5e: {  	v17 =	vld.idx.msk [tilespmem:v17+s3+$0x0], $0xffff  }
0x5f: {  	v18 =	vld.idx.msk [tilespmem:v18+s3+$0x0], $0xffff  }
0x60: {  	v19 =	vld.idx.msk [tilespmem:v19+s3+$0x0], $0xffff;
	[tilespmem:s13], [sflag:$0x1] =	stream.strided.gather [hbm4b:s6+s11], $0x5000, s12, s11, $0x38  }
0x61: {  	_ =	swait.ge [sflag:s17], $0x5000  }
0x62: {  	[sflag:s17] =	ssyncset.done $0x0  }
0x63: {  	[sflag:s17] =	ssyncadd.s32 $0xFFFFB000  }
0x64: {  	v53 =	vld [tilespmem:$0x9000]  }
0x65: {  	v54 =	vld [tilespmem:$0x9010]  }
0x66: {  	v55 =	vld [tilespmem:$0x9020]  }
0x67: {  	v56 =	vld [tilespmem:$0x9030]  }
0x68: {  	v57 =	vld [tilespmem:$0x9040]  }
0x69: {  	v58 =	vld [tilespmem:$0x9050]  }
0x6a: {  	v26 =	vld [tilespmem:$0x9400]  }
0x6b: {  	v27 =	vld [tilespmem:$0x9410]  }
0x6c: {  	v28 =	vld [tilespmem:$0x9420]  }
0x6d: {  	v0 =	vadd.f32 v8, v0;
	v29 =	vld [tilespmem:$0x9430]  }
0x6e: {  	v3 =	vadd.f32 v12, v3;
	v1 =	vadd.f32 v13, v1;
	v8 =	vld [tilespmem:$0x9060]  }
0x6f: {  	s20 =	simm.s32 $0x2000;
	v2 =	vadd.f32 v9, v2;
	v0 =	vadd.f32 v6, v0;
	v9 =	vld [tilespmem:$0x9070];
	v6 =	vshll.u32 v26, $0x7  }
0x70: {  	s21 =	simm.s32 $0x100;
	s23 =	sand.u32 $0x2000, s20;
	v3 =	vadd.f32 v10, v3;
	v1 =	vadd.f32 v11, v1;
	v13 =	vld [tilespmem:$0x9440];
	v10 =	vadd.s32 v27, v6  }
0x71: {  	s22 =	simm.s32 $0x40;
	s21 =	sand.u32 $0xF000, s21;
	s23 =	sshrl.u32 s23, $0x2;
	v2 =	vadd.f32 v4, v2;
	v59 =	vld [tilespmem:$0x9450];
	v11 =	vshll.u32 v53, $0x7  }
0x72: {  	s24 =	sand.u32 $0x380, s22;
	s21 =	sor.u32 s23, s21;
	v61 =	vld [tilespmem:$0x9460];
	v1 =	vadd.f32 v15, v1;
	v6 =	vshll.u32 v28, $0x7;
	v11 =	vadd.s32 v54, v11  }
0x73: {  	s21 =	sor.u32 s24, s21;
	v62 =	vld [tilespmem:$0x9470];
	v3 =	vadd.f32 v14, v3;
	v4 =	vshll.u32 v55, $0x7;
	v60 =	vadd.s32 v29, v6  }
0x74: {  	v2 =	vadd.f32 v5, v2;
	v5 =	vld [tilespmem:s21+$0x9030];
	v12 =	vshll.u32 v57, $0x7;
	v14 =	vadd.s32 v56, v4  }
0x75: {  	v4 =	vadd.f32 v7, v0;
	v12 =	vadd.s32 v58, v12;
	v7 =	vld.idx.msk [tilespmem:v10+s3+$0x0], $0xffff;
	v10 =	vshll.u32 v8, $0x7  }
0x76: {  	v15 =	vshll.u32 v13, $0x7;
	v6 =	vld [tilespmem:s21+$0x9010];
	v13 =	vadd.s32 v9, v10  }
0x77: {  	v63 =	vshll.u32 v61, $0x7;
	v0 =	vadd.f32 v19, v1;
	v8 =	vld.idx.msk [tilespmem:v11+s3+$0x0], $0xffff;
	v10 =	vadd.s32 v59, v15  }
0x78: {  	v1 =	vadd.f32 v18, v3;
	v3 =	vadd.f32 v16, v4;
	v11 =	vadd.s32 v62, v63;
	v4 =	vld.idx.msk [tilespmem:v60+s3+$0x0], $0xffff  }
0x79: {  	s23 =	simm.s32 $0x200;
	v2 =	vadd.f32 v17, v2;
	v9 =	vld.idx.msk [tilespmem:v14+s3+$0x0], $0xffff  }
.LBB2_4:
0x7a: {  	p0 =	sne.s32 s23, $0x4F00;
	v12 =	vld.idx.msk [tilespmem:v12+s3+$0x0], $0xffff  }
0x7b: {  	v13 =	vld.idx.msk [tilespmem:v13+s3+$0x0], $0xffff  }
0x7c: {  	v10 =	vld.idx.msk [tilespmem:v10+s3+$0x0], $0xffff  }
0x7d: {  	v11 =	vld.idx.msk [tilespmem:v11+s3+$0x0], $0xffff  }
0x7e: {  	v14 =	vld [tilespmem:s21+$0x9050]  }
0x7f: {  	v15 =	vld [tilespmem:s21+$0x9070]  }
0x80: {  	v3 =	vadd.f32 v8, v3;
	v2 =	vadd.f32 v9, v2;
	v8 =	vld [tilespmem:s21+$0x9410]  }
0x81: {  	v1 =	vadd.f32 v12, v1;
	v0 =	vadd.f32 v13, v0;
	v9 =	vld [tilespmem:s21+$0x9430]  }
0x82: {  	v3 =	vadd.f32 v7, v3;
	v2 =	vadd.f32 v4, v2;
	v16 =	vld [tilespmem:s21+$0x9450]  }
0x83: {  	v1 =	vadd.f32 v10, v1;
	v0 =	vadd.f32 v11, v0;
	v4 =	vld [tilespmem:s21+$0x9400]  }
0x84: {  	v7 =	vld [tilespmem:s21+$0x9420]  }
0x85: {  	v10 =	vld [tilespmem:s21+$0x9000]  }
0x86: {  	v11 =	vld [tilespmem:s21+$0x9020]  }
0x87: {  	s20 =	sadd.s32 $0x2000, s20;
	v12 =	vld [tilespmem:s21+$0x9040]  }
0x88: {  	s24 =	sand.u32 $0x2000, s20;
	v13 =	vld [tilespmem:s21+$0x9060];
	v4 =	vshll.u32 v4, $0x7  }
0x89: {  	s25 =	sand.u32 $0xF000, s23;
	s22 =	sadd.s32 $0x40, s22;
	s24 =	sshrl.u32 s24, $0x2;
	v4 =	vadd.s32 v8, v4;
	v7 =	vshll.u32 v7, $0x7;
	v8 =	vld [tilespmem:s21+$0x9440]  }
0x8a: {  	s26 =	sand.u32 $0x380, s22;
	s24 =	sor.u32 s24, s25;
	v10 =	vshll.u32 v10, $0x7;
	v9 =	vadd.s32 v9, v7;
	v17 =	vld [tilespmem:s21+$0x9460]  }
0x8b: {  	v18 =	vadd.s32 v6, v10;
	v7 =	vshll.u32 v11, $0x7;
	v11 =	vld [tilespmem:s21+$0x9470];
	s21 =	sor.u32 s26, s24  }
0x8c: {  	v6 =	vld [tilespmem:s21+$0x9010];
	v19 =	vadd.s32 v5, v7;
	v7 =	vshll.u32 v12, $0x7  }
.Ltmp1:
0x8d: {  	v5 =	vld [tilespmem:s21+$0x9030];
	v12 =	vadd.s32 v14, v7;
	v10 =	vshll.u32 v13, $0x7;
	(pc) =	sbr.rel @p0 .LBB2_4-.Ltmp1, $4  }
0x8e: {  	v7 =	vld.idx.msk [tilespmem:v4+s3+$0x0], $0xffff;
	v13 =	vadd.s32 v15, v10;
	v8 =	vshll.u32 v8, $0x7  }
0x8f: {  	v4 =	vld.idx.msk [tilespmem:v9+s3+$0x0], $0xffff;
	v10 =	vadd.s32 v16, v8;
	v9 =	vshll.u32 v17, $0x7  }
0x90: {  	v8 =	vld.idx.msk [tilespmem:v18+s3+$0x0], $0xffff;
	v11 =	vadd.s32 v11, v9  }
0x91: {  	s23 =	sadd.s32 $0x100, s23;
	v9 =	vld.idx.msk [tilespmem:v19+s3+$0x0], $0xffff  }
0x92: {  	_ =	sdelay $0x3  }
0x93: {  	v12 =	vld.idx.msk [tilespmem:v12+s3+$0x0], $0xffff  }
0x94: {  	v13 =	vld.idx.msk [tilespmem:v13+s3+$0x0], $0xffff  }
0x95: {  	v14 =	vld [tilespmem:s21+$0x9050]  }
0x96: {  	v15 =	vld [tilespmem:s21+$0x9070]  }
0x97: {  	v16 =	vld [tilespmem:s21+$0x9410]  }
0x98: {  	v17 =	vld [tilespmem:s21+$0x9430]  }
0x99: {  	v18 =	vld [tilespmem:s21+$0x9450]  }
0x9a: {  	v19 =	vld [tilespmem:s21+$0x9000]  }
0x9b: {  	v20 =	vld [tilespmem:s21+$0x9020]  }
0x9c: {  	v21 =	vld [tilespmem:s21+$0x9040]  }
0x9d: {  	v22 =	vld [tilespmem:s21+$0x9060]  }
0x9e: {  	v23 =	vld [tilespmem:s21+$0x9400]  }
0x9f: {  	v24 =	vld [tilespmem:s21+$0x9420];
	v19 =	vshll.u32 v19, $0x7  }
0xa0: {  	v25 =	vld [tilespmem:s21+$0x9440];
	v47 =	vshll.u32 v20, $0x7;
	v6 =	vadd.s32 v6, v19  }
0xa1: {  	v48 =	vld [tilespmem:s21+$0x9460];
	v49 =	vshll.u32 v21, $0x7;
	v5 =	vadd.s32 v5, v47  }
0xa2: {  	v50 =	vld [tilespmem:s21+$0x9470];
	v51 =	vshll.u32 v22, $0x7;
	v14 =	vadd.s32 v14, v49  }
0xa3: {  	v10 =	vld.idx.msk [tilespmem:v10+s3+$0x0], $0xffff;
	v52 =	vshll.u32 v23, $0x7;
	v15 =	vadd.s32 v15, v51  }
0xa4: {  	v11 =	vld.idx.msk [tilespmem:v11+s3+$0x0], $0xffff;
	v53 =	vshll.u32 v24, $0x7;
	v16 =	vadd.s32 v16, v52  }
0xa5: {  	v54 =	vshll.u32 v25, $0x7;
	v17 =	vadd.s32 v17, v53;
	v55 =	vld.idx.msk [tilespmem:v6+s3+$0x0], $0xffff  }
0xa6: {  	v56 =	vshll.u32 v48, $0x7;
	v6 =	vadd.s32 v18, v54;
	v5 =	vld.idx.msk [tilespmem:v5+s3+$0x0], $0xffff  }
0xa7: {  	v18 =	vadd.s32 v50, v56;
	v14 =	vld.idx.msk [tilespmem:v14+s3+$0x0], $0xffff  }
0xa8: {  	v15 =	vld.idx.msk [tilespmem:v15+s3+$0x0], $0xffff  }
0xa9: {  	v16 =	vld.idx.msk [tilespmem:v16+s3+$0x0], $0xffff  }
0xaa: {  	v17 =	vld.idx.msk [tilespmem:v17+s3+$0x0], $0xffff  }
0xab: {  	v19 =	vld.idx.msk [tilespmem:v6+s3+$0x0], $0xffff  }
0xac: {  	v18 =	vld.idx.msk [tilespmem:v18+s3+$0x0], $0xffff;
	[tilespmem:s14], [sflag:$0x2] =	stream.strided.gather [hbm4b:s7+s11], $0x5000, s12, s11, $0x38  }
0xad: {  	_ =	swait.ge [sflag:s16], $0x5000  }
0xae: {  	[sflag:s16] =	ssyncset.done $0x0  }
0xaf: {  	[sflag:s16] =	ssyncadd.s32 $0xFFFFB000  }
0xb0: {  	v6 =	vld [tilespmem:$0x4000]  }
0xb1: {  	v57 =	vld [tilespmem:$0x4010]  }
0xb2: {  	v58 =	vld [tilespmem:$0x4020]  }
0xb3: {  	v59 =	vld [tilespmem:$0x4030]  }
0xb4: {  	v60 =	vld [tilespmem:$0x4040]  }
0xb5: {  	v61 =	vld [tilespmem:$0x4050]  }
0xb6: {  	v28 =	vld [tilespmem:$0x4420]  }
0xb7: {  	v29 =	vld [tilespmem:$0x4430]  }
0xb8: {  	v26 =	vld [tilespmem:$0x4400]  }
0xb9: {  	v1 =	vadd.f32 v12, v1;
	v27 =	vld [tilespmem:$0x4410]  }
0xba: {  	v3 =	vadd.f32 v8, v3;
	v8 =	vld [tilespmem:$0x4060]  }
0xbb: {  	s20 =	simm.s32 $0x2000;
	v2 =	vadd.f32 v9, v2;
	v1 =	vadd.f32 v10, v1;
	v9 =	vld [tilespmem:$0x4070];
	v10 =	vshll.u32 v28, $0x7  }
0xbc: {  	s31 =	simm.s32 $0x100;
	s23 =	sand.u32 $0x2000, s20;
	v0 =	vadd.f32 v13, v0;
	v13 =	vld [tilespmem:$0x4440];
	v10 =	vadd.s32 v29, v10  }
0xbd: {  	s22 =	simm.s32 $0x40;
	s21 =	sand.u32 $0xF000, s31;
	s23 =	sshrl.u32 s23, $0x2;
	v3 =	vadd.f32 v7, v3;
	v2 =	vadd.f32 v4, v2;
	v62 =	vld [tilespmem:$0x4450];
	v7 =	vshll.u32 v26, $0x7  }
0xbe: {  	s24 =	sand.u32 $0x380, s22;
	s21 =	sor.u32 s23, s21;
	v0 =	vadd.f32 v11, v0;
	v11 =	vld [tilespmem:$0x4460];
	v6 =	vshll.u32 v6, $0x7;
	v7 =	vadd.s32 v27, v7  }
0xbf: {  	s21 =	sor.u32 s24, s21;
	v1 =	vadd.f32 v14, v1;
	v63 =	vld [tilespmem:$0x4470];
	v4 =	vshll.u32 v58, $0x7;
	v20 =	vadd.s32 v57, v6  }
0xc0: {  	v2 =	vadd.f32 v5, v2;
	v5 =	vld [tilespmem:s21+$0x4030];
	v14 =	vadd.s32 v59, v4;
	v4 =	vshll.u32 v60, $0x7  }
0xc1: {  	v0 =	vadd.f32 v15, v0;
	v12 =	vadd.s32 v61, v4;
	v4 =	vld.idx.msk [tilespmem:v10+s3+$0x0], $0xffff;
	v10 =	vshll.u32 v8, $0x7  }
0xc2: {  	v3 =	vadd.f32 v55, v3;
	v15 =	vshll.u32 v13, $0x7;
	v6 =	vld [tilespmem:s21+$0x4010];
	v13 =	vadd.s32 v9, v10  }
0xc3: {  	v11 =	vshll.u32 v11, $0x7;
	v7 =	vld.idx.msk [tilespmem:v7+s3+$0x0], $0xffff;
	v10 =	vadd.s32 v62, v15  }
0xc4: {  	v2 =	vadd.f32 v17, v2;
	v3 =	vadd.f32 v16, v3;
	v11 =	vadd.s32 v63, v11;
	v8 =	vld.idx.msk [tilespmem:v20+s3+$0x0], $0xffff  }
0xc5: {  	s23 =	simm.s32 $0x200;
	v0 =	vadd.f32 v18, v0;
	v1 =	vadd.f32 v19, v1;
	v9 =	vld.idx.msk [tilespmem:v14+s3+$0x0], $0xffff  }
.LBB2_6:
0xc6: {  	p0 =	sne.s32 s23, $0x4F00;
	v12 =	vld.idx.msk [tilespmem:v12+s3+$0x0], $0xffff  }
0xc7: {  	v13 =	vld.idx.msk [tilespmem:v13+s3+$0x0], $0xffff  }
0xc8: {  	v10 =	vld.idx.msk [tilespmem:v10+s3+$0x0], $0xffff  }
0xc9: {  	v11 =	vld.idx.msk [tilespmem:v11+s3+$0x0], $0xffff  }
0xca: {  	v14 =	vld [tilespmem:s21+$0x4050]  }
0xcb: {  	v15 =	vld [tilespmem:s21+$0x4070]  }
0xcc: {  	v3 =	vadd.f32 v8, v3;
	v2 =	vadd.f32 v9, v2;
	v8 =	vld [tilespmem:s21+$0x4410]  }
0xcd: {  	v1 =	vadd.f32 v12, v1;
	v0 =	vadd.f32 v13, v0;
	v9 =	vld [tilespmem:s21+$0x4430]  }
0xce: {  	v3 =	vadd.f32 v7, v3;
	v2 =	vadd.f32 v4, v2;
	v16 =	vld [tilespmem:s21+$0x4450]  }
0xcf: {  	v1 =	vadd.f32 v10, v1;
	v0 =	vadd.f32 v11, v0;
	v4 =	vld [tilespmem:s21+$0x4400]  }
0xd0: {  	v7 =	vld [tilespmem:s21+$0x4420]  }
0xd1: {  	v10 =	vld [tilespmem:s21+$0x4000]  }
0xd2: {  	v11 =	vld [tilespmem:s21+$0x4020]  }
0xd3: {  	s20 =	sadd.s32 $0x2000, s20;
	v12 =	vld [tilespmem:s21+$0x4040]  }
0xd4: {  	s24 =	sand.u32 $0x2000, s20;
	v13 =	vld [tilespmem:s21+$0x4060];
	v4 =	vshll.u32 v4, $0x7  }
0xd5: {  	s25 =	sand.u32 $0xF000, s23;
	s22 =	sadd.s32 $0x40, s22;
	s24 =	sshrl.u32 s24, $0x2;
	v4 =	vadd.s32 v8, v4;
	v7 =	vshll.u32 v7, $0x7;
	v8 =	vld [tilespmem:s21+$0x4440]  }
0xd6: {  	s26 =	sand.u32 $0x380, s22;
	s24 =	sor.u32 s24, s25;
	v10 =	vshll.u32 v10, $0x7;
	v9 =	vadd.s32 v9, v7;
	v17 =	vld [tilespmem:s21+$0x4460]  }
0xd7: {  	v18 =	vadd.s32 v6, v10;
	v7 =	vshll.u32 v11, $0x7;
	v11 =	vld [tilespmem:s21+$0x4470];
	s21 =	sor.u32 s26, s24  }
0xd8: {  	v6 =	vld [tilespmem:s21+$0x4010];
	v19 =	vadd.s32 v5, v7;
	v7 =	vshll.u32 v12, $0x7  }
.Ltmp2:
0xd9: {  	v5 =	vld [tilespmem:s21+$0x4030];
	v12 =	vadd.s32 v14, v7;
	v10 =	vshll.u32 v13, $0x7;
	(pc) =	sbr.rel @p0 .LBB2_6-.Ltmp2, $4  }
0xda: {  	v7 =	vld.idx.msk [tilespmem:v4+s3+$0x0], $0xffff;
	v13 =	vadd.s32 v15, v10;
	v8 =	vshll.u32 v8, $0x7  }
0xdb: {  	v4 =	vld.idx.msk [tilespmem:v9+s3+$0x0], $0xffff;
	v10 =	vadd.s32 v16, v8;
	v9 =	vshll.u32 v17, $0x7  }
0xdc: {  	v8 =	vld.idx.msk [tilespmem:v18+s3+$0x0], $0xffff;
	v11 =	vadd.s32 v11, v9  }
0xdd: {  	s23 =	sadd.s32 $0x100, s23;
	v9 =	vld.idx.msk [tilespmem:v19+s3+$0x0], $0xffff  }
0xde: {  	_ =	sdelay $0x3  }
0xdf: {  	v12 =	vld.idx.msk [tilespmem:v12+s3+$0x0], $0xffff  }
0xe0: {  	v13 =	vld.idx.msk [tilespmem:v13+s3+$0x0], $0xffff  }
0xe1: {  	v14 =	vld [tilespmem:s21+$0x4050]  }
0xe2: {  	v15 =	vld [tilespmem:s21+$0x4070]  }
0xe3: {  	v16 =	vld [tilespmem:s21+$0x4410]  }
0xe4: {  	v17 =	vld [tilespmem:s21+$0x4430]  }
0xe5: {  	v18 =	vld [tilespmem:s21+$0x4450]  }
0xe6: {  	v19 =	vld [tilespmem:s21+$0x4000]  }
0xe7: {  	v20 =	vld [tilespmem:s21+$0x4020]  }
0xe8: {  	v21 =	vld [tilespmem:s21+$0x4040]  }
0xe9: {  	v22 =	vld [tilespmem:s21+$0x4060]  }
0xea: {  	v23 =	vld [tilespmem:s21+$0x4400]  }
0xeb: {  	v24 =	vld [tilespmem:s21+$0x4420];
	v19 =	vshll.u32 v19, $0x7  }
0xec: {  	v25 =	vld [tilespmem:s21+$0x4440];
	v47 =	vshll.u32 v20, $0x7;
	v6 =	vadd.s32 v6, v19  }
0xed: {  	v48 =	vld [tilespmem:s21+$0x4460];
	v49 =	vshll.u32 v21, $0x7;
	v5 =	vadd.s32 v5, v47  }
0xee: {  	v50 =	vld [tilespmem:s21+$0x4470];
	v51 =	vshll.u32 v22, $0x7;
	v14 =	vadd.s32 v14, v49  }
0xef: {  	v10 =	vld.idx.msk [tilespmem:v10+s3+$0x0], $0xffff;
	v52 =	vshll.u32 v23, $0x7;
	v15 =	vadd.s32 v15, v51  }
0xf0: {  	v11 =	vld.idx.msk [tilespmem:v11+s3+$0x0], $0xffff;
	v53 =	vshll.u32 v24, $0x7;
	v16 =	vadd.s32 v16, v52  }
0xf1: {  	v54 =	vshll.u32 v25, $0x7;
	v17 =	vadd.s32 v17, v53;
	v6 =	vld.idx.msk [tilespmem:v6+s3+$0x0], $0xffff  }
0xf2: {  	v55 =	vshll.u32 v48, $0x7;
	v18 =	vadd.s32 v18, v54;
	v56 =	vld.idx.msk [tilespmem:v5+s3+$0x0], $0xffff  }
0xf3: {  	v5 =	vadd.s32 v50, v55;
	v14 =	vld.idx.msk [tilespmem:v14+s3+$0x0], $0xffff  }
0xf4: {  	v15 =	vld.idx.msk [tilespmem:v15+s3+$0x0], $0xffff  }
0xf5: {  	v16 =	vld.idx.msk [tilespmem:v16+s3+$0x0], $0xffff  }
0xf6: {  	v17 =	vld.idx.msk [tilespmem:v17+s3+$0x0], $0xffff  }
0xf7: {  	v18 =	vld.idx.msk [tilespmem:v18+s3+$0x0], $0xffff  }
0xf8: {  	v19 =	vld.idx.msk [tilespmem:v5+s3+$0x0], $0xffff;
	[tilespmem:s13], [sflag:$0x1] =	stream.strided.gather [hbm4b:s8+s11], $0x5000, s12, s11, $0x38  }
0xf9: {  	_ =	swait.ge [sflag:s17], $0x5000  }
0xfa: {  	[sflag:s17] =	ssyncset.done $0x0  }
0xfb: {  	[sflag:s17] =	ssyncadd.s32 $0xFFFFB000  }
0xfc: {  	v5 =	vld [tilespmem:$0x9000]  }
0xfd: {  	v57 =	vld [tilespmem:$0x9010]  }
0xfe: {  	v58 =	vld [tilespmem:$0x9020]  }
0xff: {  	v59 =	vld [tilespmem:$0x9030]  }
0x100: {  	v26 =	vld [tilespmem:$0x9400]  }
0x101: {  	v27 =	vld [tilespmem:$0x9410]  }
0x102: {  	v28 =	vld [tilespmem:$0x9420]  }
0x103: {  	v29 =	vld [tilespmem:$0x9430]  }
0x104: {  	v3 =	vadd.f32 v8, v3;
	v60 =	vld [tilespmem:$0x9040]  }
0x105: {  	v1 =	vadd.f32 v12, v1;
	v61 =	vld [tilespmem:$0x9050]  }
0x106: {  	v2 =	vadd.f32 v9, v2;
	v3 =	vadd.f32 v7, v3;
	v8 =	vld [tilespmem:$0x9060];
	v7 =	vshll.u32 v26, $0x7  }
0x107: {  	v1 =	vadd.f32 v10, v1;
	v9 =	vld [tilespmem:$0x9070];
	v10 =	vshll.u32 v28, $0x7;
	v7 =	vadd.s32 v27, v7  }
0x108: {  	v0 =	vadd.f32 v13, v0;
	v13 =	vld [tilespmem:$0x9440];
	v10 =	vadd.s32 v29, v10  }
0x109: {  	s20 =	simm.s32 $0x2000;
	v62 =	vld [tilespmem:$0x9450]  }
0x10a: {  	s31 =	simm.s32 $0x100;
	s23 =	sand.u32 $0x2000, s20;
	v2 =	vadd.f32 v4, v2;
	v0 =	vadd.f32 v11, v0;
	v11 =	vld [tilespmem:$0x9460];
	v5 =	vshll.u32 v5, $0x7  }
0x10b: {  	s22 =	simm.s32 $0x40;
	s21 =	sand.u32 $0xF000, s31;
	s23 =	sshrl.u32 s23, $0x2;
	v1 =	vadd.f32 v14, v1;
	v63 =	vld [tilespmem:$0x9470];
	v4 =	vshll.u32 v58, $0x7;
	v21 =	vadd.s32 v57, v5  }
0x10c: {  	s24 =	sand.u32 $0x380, s22;
	s21 =	sor.u32 s23, s21;
	v3 =	vadd.f32 v6, v3;
	v12 =	vshll.u32 v60, $0x7;
	v14 =	vadd.s32 v59, v4;
	v6 =	vld.idx.msk [tilespmem:v7+s3+$0x0], $0xffff  }
0x10d: {  	s21 =	sor.u32 s24, s21;
	v0 =	vadd.f32 v15, v0;
	v12 =	vadd.s32 v61, v12;
	v7 =	vld.idx.msk [tilespmem:v10+s3+$0x0], $0xffff;
	v10 =	vshll.u32 v8, $0x7  }
0x10e: {  	v2 =	vadd.f32 v56, v2;
	v15 =	vshll.u32 v13, $0x7;
	v5 =	vld [tilespmem:s21+$0x9010];
	v13 =	vadd.s32 v9, v10  }
0x10f: {  	v11 =	vshll.u32 v11, $0x7;
	v4 =	vld [tilespmem:s21+$0x9030];
	v10 =	vadd.s32 v62, v15  }
0x110: {  	v1 =	vadd.f32 v18, v1;
	v2 =	vadd.f32 v17, v2;
	v11 =	vadd.s32 v63, v11;
	v8 =	vld.idx.msk [tilespmem:v21+s3+$0x0], $0xffff  }
0x111: {  	s23 =	simm.s32 $0x200;
	v3 =	vadd.f32 v16, v3;
	v0 =	vadd.f32 v19, v0;
	v9 =	vld.idx.msk [tilespmem:v14+s3+$0x0], $0xffff  }
.LBB2_8:
0x112: {  	p0 =	sne.s32 s23, $0x4F00;
	v12 =	vld.idx.msk [tilespmem:v12+s3+$0x0], $0xffff  }
0x113: {  	v13 =	vld.idx.msk [tilespmem:v13+s3+$0x0], $0xffff  }
0x114: {  	v10 =	vld.idx.msk [tilespmem:v10+s3+$0x0], $0xffff  }
0x115: {  	v11 =	vld.idx.msk [tilespmem:v11+s3+$0x0], $0xffff  }
0x116: {  	v14 =	vld [tilespmem:s21+$0x9050]  }
0x117: {  	v15 =	vld [tilespmem:s21+$0x9070]  }
0x118: {  	v3 =	vadd.f32 v8, v3;
	v2 =	vadd.f32 v9, v2;
	v8 =	vld [tilespmem:s21+$0x9410]  }
0x119: {  	v1 =	vadd.f32 v12, v1;
	v0 =	vadd.f32 v13, v0;
	v9 =	vld [tilespmem:s21+$0x9430]  }
0x11a: {  	v3 =	vadd.f32 v6, v3;
	v2 =	vadd.f32 v7, v2;
	v16 =	vld [tilespmem:s21+$0x9450]  }
0x11b: {  	v1 =	vadd.f32 v10, v1;
	v0 =	vadd.f32 v11, v0;
	v6 =	vld [tilespmem:s21+$0x9400]  }
0x11c: {  	v7 =	vld [tilespmem:s21+$0x9420]  }
0x11d: {  	v10 =	vld [tilespmem:s21+$0x9000]  }
0x11e: {  	v11 =	vld [tilespmem:s21+$0x9020]  }
0x11f: {  	s20 =	sadd.s32 $0x2000, s20;
	v12 =	vld [tilespmem:s21+$0x9040]  }
0x120: {  	s24 =	sand.u32 $0x2000, s20;
	v13 =	vld [tilespmem:s21+$0x9060];
	v6 =	vshll.u32 v6, $0x7  }
0x121: {  	s25 =	sand.u32 $0xF000, s23;
	s22 =	sadd.s32 $0x40, s22;
	s24 =	sshrl.u32 s24, $0x2;
	v6 =	vadd.s32 v8, v6;
	v7 =	vshll.u32 v7, $0x7;
	v8 =	vld [tilespmem:s21+$0x9440]  }
0x122: {  	s26 =	sand.u32 $0x380, s22;
	s24 =	sor.u32 s24, s25;
	v10 =	vshll.u32 v10, $0x7;
	v7 =	vadd.s32 v9, v7;
	v9 =	vld [tilespmem:s21+$0x9460]  }
0x123: {  	v17 =	vadd.s32 v5, v10;
	v10 =	vshll.u32 v11, $0x7;
	v11 =	vld [tilespmem:s21+$0x9470];
	s21 =	sor.u32 s26, s24  }
0x124: {  	v5 =	vld [tilespmem:s21+$0x9010];
	v18 =	vadd.s32 v4, v10;
	v10 =	vshll.u32 v12, $0x7  }
.Ltmp3:
0x125: {  	v4 =	vld [tilespmem:s21+$0x9030];
	v12 =	vadd.s32 v14, v10;
	v10 =	vshll.u32 v13, $0x7;
	(pc) =	sbr.rel @p0 .LBB2_8-.Ltmp3, $4  }
0x126: {  	v6 =	vld.idx.msk [tilespmem:v6+s3+$0x0], $0xffff;
	v13 =	vadd.s32 v15, v10;
	v8 =	vshll.u32 v8, $0x7  }
0x127: {  	v7 =	vld.idx.msk [tilespmem:v7+s3+$0x0], $0xffff;
	v10 =	vadd.s32 v16, v8;
	v9 =	vshll.u32 v9, $0x7  }
0x128: {  	v8 =	vld.idx.msk [tilespmem:v17+s3+$0x0], $0xffff;
	v11 =	vadd.s32 v11, v9  }
0x129: {  	s23 =	sadd.s32 $0x100, s23;
	v9 =	vld.idx.msk [tilespmem:v18+s3+$0x0], $0xffff  }
0x12a: {  	_ =	sdelay $0x3  }
0x12b: {  	v12 =	vld.idx.msk [tilespmem:v12+s3+$0x0], $0xffff  }
0x12c: {  	v13 =	vld.idx.msk [tilespmem:v13+s3+$0x0], $0xffff  }
0x12d: {  	v14 =	vld [tilespmem:s21+$0x9050]  }
0x12e: {  	v15 =	vld [tilespmem:s21+$0x9070]  }
0x12f: {  	v16 =	vld [tilespmem:s21+$0x9410]  }
0x130: {  	v17 =	vld [tilespmem:s21+$0x9430]  }
0x131: {  	v18 =	vld [tilespmem:s21+$0x9450]  }
0x132: {  	v19 =	vld [tilespmem:s21+$0x9000]  }
0x133: {  	v20 =	vld [tilespmem:s21+$0x9020]  }
0x134: {  	v21 =	vld [tilespmem:s21+$0x9040]  }
0x135: {  	v22 =	vld [tilespmem:s21+$0x9060]  }
0x136: {  	v23 =	vld [tilespmem:s21+$0x9400]  }
0x137: {  	v24 =	vld [tilespmem:s21+$0x9420];
	v19 =	vshll.u32 v19, $0x7  }
0x138: {  	v25 =	vld [tilespmem:s21+$0x9440];
	v46 =	vshll.u32 v20, $0x7;
	v5 =	vadd.s32 v5, v19  }
0x139: {  	v47 =	vld [tilespmem:s21+$0x9460];
	v48 =	vshll.u32 v21, $0x7;
	v4 =	vadd.s32 v4, v46  }
0x13a: {  	v49 =	vld [tilespmem:s21+$0x9470];
	v50 =	vshll.u32 v22, $0x7;
	v14 =	vadd.s32 v14, v48  }
0x13b: {  	v10 =	vld.idx.msk [tilespmem:v10+s3+$0x0], $0xffff;
	v51 =	vshll.u32 v23, $0x7;
	v15 =	vadd.s32 v15, v50  }
0x13c: {  	v11 =	vld.idx.msk [tilespmem:v11+s3+$0x0], $0xffff;
	v52 =	vshll.u32 v24, $0x7;
	v16 =	vadd.s32 v16, v51  }
0x13d: {  	v53 =	vshll.u32 v25, $0x7;
	v17 =	vadd.s32 v17, v52;
	v5 =	vld.idx.msk [tilespmem:v5+s3+$0x0], $0xffff  }
0x13e: {  	v54 =	vshll.u32 v47, $0x7;
	v18 =	vadd.s32 v18, v53;
	v4 =	vld.idx.msk [tilespmem:v4+s3+$0x0], $0xffff  }
0x13f: {  	v19 =	vadd.s32 v49, v54;
	v14 =	vld.idx.msk [tilespmem:v14+s3+$0x0], $0xffff  }
0x140: {  	v15 =	vld.idx.msk [tilespmem:v15+s3+$0x0], $0xffff  }
0x141: {  	v16 =	vld.idx.msk [tilespmem:v16+s3+$0x0], $0xffff  }
0x142: {  	v17 =	vld.idx.msk [tilespmem:v17+s3+$0x0], $0xffff  }
0x143: {  	v18 =	vld.idx.msk [tilespmem:v18+s3+$0x0], $0xffff  }
0x144: {  	v19 =	vld.idx.msk [tilespmem:v19+s3+$0x0], $0xffff;
	_ =	swait.ge [sflag:s16], $0x5000  }
0x145: {  	[sflag:s16] =	ssyncset.done $0x0  }
0x146: {  	[sflag:s16] =	ssyncadd.s32 $0xFFFFB000  }
0x147: {  	v55 =	vld [tilespmem:$0x4000]  }
0x148: {  	v56 =	vld [tilespmem:$0x4010]  }
0x149: {  	v57 =	vld [tilespmem:$0x4020]  }
0x14a: {  	v58 =	vld [tilespmem:$0x4030]  }
0x14b: {  	v59 =	vld [tilespmem:$0x4040]  }
0x14c: {  	v60 =	vld [tilespmem:$0x4050]  }
0x14d: {  	v26 =	vld [tilespmem:$0x4400]  }
0x14e: {  	v3 =	vadd.f32 v8, v3;
	v27 =	vld [tilespmem:$0x4410]  }
0x14f: {  	v2 =	vadd.f32 v9, v2;
	v0 =	vadd.f32 v13, v0;
	v28 =	vld [tilespmem:$0x4420]  }
0x150: {  	v1 =	vadd.f32 v12, v1;
	v3 =	vadd.f32 v6, v3;
	v29 =	vld [tilespmem:$0x4430]  }
0x151: {  	v2 =	vadd.f32 v7, v2;
	v0 =	vadd.f32 v11, v0;
	v8 =	vld [tilespmem:$0x4060]  }
0x152: {  	s20 =	simm.s32 $0x2000;
	v1 =	vadd.f32 v10, v1;
	v9 =	vld [tilespmem:$0x4070];
	v3 =	vadd.f32 v5, v3  }
0x153: {  	s31 =	simm.s32 $0x100;
	s23 =	sand.u32 $0x2000, s20;
	v13 =	vld [tilespmem:$0x4440];
	v2 =	vadd.f32 v4, v2;
	v12 =	vadd.f32 v15, v0;
	v6 =	vshll.u32 v26, $0x7  }
0x154: {  	s22 =	simm.s32 $0x40;
	s21 =	sand.u32 $0xF000, s31;
	s23 =	sshrl.u32 s23, $0x2;
	v61 =	vld [tilespmem:$0x4450];
	v0 =	vadd.f32 v16, v3;
	v10 =	vshll.u32 v55, $0x7;
	v6 =	vadd.s32 v27, v6  }
0x155: {  	s24 =	sand.u32 $0x380, s22;
	s21 =	sor.u32 s23, s21;
	v62 =	vld [tilespmem:$0x4460];
	v7 =	vshll.u32 v28, $0x7;
	v11 =	vshll.u32 v57, $0x7;
	v10 =	vadd.s32 v56, v10  }
0x156: {  	s21 =	sor.u32 s24, s21;
	v63 =	vld [tilespmem:$0x4470];
	v7 =	vadd.s32 v29, v7;
	v22 =	vadd.s32 v58, v11;
	v11 =	vadd.f32 v14, v1  }
0x157: {  	v5 =	vld [tilespmem:s21+$0x4010];
	v3 =	vadd.f32 v19, v12;
	v1 =	vadd.f32 v17, v2;
	v14 =	vshll.u32 v59, $0x7  }
0x158: {  	v4 =	vld [tilespmem:s21+$0x4030];
	v12 =	vadd.s32 v60, v14;
	v2 =	vadd.f32 v18, v11;
	v11 =	vshll.u32 v8, $0x7  }
0x159: {  	v14 =	vshll.u32 v13, $0x7;
	v13 =	vadd.s32 v9, v11;
	v6 =	vld.idx.msk [tilespmem:v6+s3+$0x0], $0xffff  }
0x15a: {  	v15 =	vshll.u32 v62, $0x7;
	v8 =	vld.idx.msk [tilespmem:v10+s3+$0x0], $0xffff;
	v10 =	vadd.s32 v61, v14  }
0x15b: {  	v11 =	vadd.s32 v63, v15;
	v7 =	vld.idx.msk [tilespmem:v7+s3+$0x0], $0xffff  }
0x15c: {  	s23 =	simm.s32 $0x200;
	v9 =	vld.idx.msk [tilespmem:v22+s3+$0x0], $0xffff  }
.LBB2_10:
0x15d: {  	p0 =	sne.s32 s23, $0x4F00;
	v12 =	vld.idx.msk [tilespmem:v12+s3+$0x0], $0xffff  }
0x15e: {  	v13 =	vld.idx.msk [tilespmem:v13+s3+$0x0], $0xffff  }
0x15f: {  	v10 =	vld.idx.msk [tilespmem:v10+s3+$0x0], $0xffff  }
0x160: {  	v11 =	vld.idx.msk [tilespmem:v11+s3+$0x0], $0xffff  }
0x161: {  	v14 =	vld [tilespmem:s21+$0x4050]  }
0x162: {  	v15 =	vld [tilespmem:s21+$0x4070]  }
0x163: {  	v0 =	vadd.f32 v8, v0;
	v1 =	vadd.f32 v9, v1;
	v8 =	vld [tilespmem:s21+$0x4410]  }
0x164: {  	v2 =	vadd.f32 v12, v2;
	v3 =	vadd.f32 v13, v3;
	v9 =	vld [tilespmem:s21+$0x4430]  }
0x165: {  	v0 =	vadd.f32 v6, v0;
	v1 =	vadd.f32 v7, v1;
	v16 =	vld [tilespmem:s21+$0x4450]  }
0x166: {  	v2 =	vadd.f32 v10, v2;
	v3 =	vadd.f32 v11, v3;
	v6 =	vld [tilespmem:s21+$0x4400]  }
0x167: {  	v7 =	vld [tilespmem:s21+$0x4420]  }
0x168: {  	v10 =	vld [tilespmem:s21+$0x4000]  }
0x169: {  	v11 =	vld [tilespmem:s21+$0x4020]  }
0x16a: {  	s20 =	sadd.s32 $0x2000, s20;
	v12 =	vld [tilespmem:s21+$0x4040]  }
0x16b: {  	s24 =	sand.u32 $0x2000, s20;
	v13 =	vld [tilespmem:s21+$0x4060];
	v6 =	vshll.u32 v6, $0x7  }
0x16c: {  	s25 =	sand.u32 $0xF000, s23;
	s22 =	sadd.s32 $0x40, s22;
	s24 =	sshrl.u32 s24, $0x2;
	v6 =	vadd.s32 v8, v6;
	v7 =	vshll.u32 v7, $0x7;
	v8 =	vld [tilespmem:s21+$0x4440]  }
0x16d: {  	s26 =	sand.u32 $0x380, s22;
	s24 =	sor.u32 s24, s25;
	v10 =	vshll.u32 v10, $0x7;
	v7 =	vadd.s32 v9, v7;
	v9 =	vld [tilespmem:s21+$0x4460]  }
0x16e: {  	v17 =	vadd.s32 v5, v10;
	v10 =	vshll.u32 v11, $0x7;
	v11 =	vld [tilespmem:s21+$0x4470];
	s21 =	sor.u32 s26, s24  }
0x16f: {  	v5 =	vld [tilespmem:s21+$0x4010];
	v18 =	vadd.s32 v4, v10;
	v10 =	vshll.u32 v12, $0x7  }
.Ltmp4:
0x170: {  	v4 =	vld [tilespmem:s21+$0x4030];
	v12 =	vadd.s32 v14, v10;
	v10 =	vshll.u32 v13, $0x7;
	(pc) =	sbr.rel @p0 .LBB2_10-.Ltmp4, $4  }
0x171: {  	v6 =	vld.idx.msk [tilespmem:v6+s3+$0x0], $0xffff;
	v13 =	vadd.s32 v15, v10;
	v8 =	vshll.u32 v8, $0x7  }
0x172: {  	v7 =	vld.idx.msk [tilespmem:v7+s3+$0x0], $0xffff;
	v10 =	vadd.s32 v16, v8;
	v9 =	vshll.u32 v9, $0x7  }
0x173: {  	v8 =	vld.idx.msk [tilespmem:v17+s3+$0x0], $0xffff;
	v11 =	vadd.s32 v11, v9  }
0x174: {  	s23 =	sadd.s32 $0x100, s23;
	v9 =	vld.idx.msk [tilespmem:v18+s3+$0x0], $0xffff  }
0x175: {  	_ =	sdelay $0x3  }
0x176: {  	v12 =	vld.idx.msk [tilespmem:v12+s3+$0x0], $0xffff  }
0x177: {  	v13 =	vld.idx.msk [tilespmem:v13+s3+$0x0], $0xffff  }
0x178: {  	v14 =	vld [tilespmem:s21+$0x4050]  }
0x179: {  	v15 =	vld [tilespmem:s21+$0x4070]  }
0x17a: {  	v16 =	vld [tilespmem:s21+$0x4410]  }
0x17b: {  	v17 =	vld [tilespmem:s21+$0x4430]  }
0x17c: {  	v18 =	vld [tilespmem:s21+$0x4450]  }
0x17d: {  	v19 =	vld [tilespmem:s21+$0x4000]  }
0x17e: {  	v20 =	vld [tilespmem:s21+$0x4020]  }
0x17f: {  	v21 =	vld [tilespmem:s21+$0x4040]  }
0x180: {  	v22 =	vld [tilespmem:s21+$0x4060]  }
0x181: {  	v23 =	vld [tilespmem:s21+$0x4400]  }
0x182: {  	v24 =	vld [tilespmem:s21+$0x4420];
	v19 =	vshll.u32 v19, $0x7  }
0x183: {  	v54 =	vld [tilespmem:s21+$0x4440];
	v20 =	vshll.u32 v20, $0x7;
	v5 =	vadd.s32 v5, v19  }
0x184: {  	v55 =	vld [tilespmem:s21+$0x4460];
	v21 =	vshll.u32 v21, $0x7;
	v4 =	vadd.s32 v4, v20  }
0x185: {  	v56 =	vld [tilespmem:s21+$0x4470];
	v22 =	vshll.u32 v22, $0x7;
	v14 =	vadd.s32 v14, v21  }
0x186: {  	v10 =	vld.idx.msk [tilespmem:v10+s3+$0x0], $0xffff;
	v57 =	vshll.u32 v23, $0x7;
	v15 =	vadd.s32 v15, v22  }
0x187: {  	v11 =	vld.idx.msk [tilespmem:v11+s3+$0x0], $0xffff;
	v58 =	vshll.u32 v24, $0x7;
	v16 =	vadd.s32 v16, v57  }
0x188: {  	v17 =	vadd.s32 v17, v58;
	v19 =	vshll.u32 v54, $0x7;
	v5 =	vld.idx.msk [tilespmem:v5+s3+$0x0], $0xffff  }
0x189: {  	v59 =	vshll.u32 v55, $0x7;
	v18 =	vadd.s32 v18, v19;
	v4 =	vld.idx.msk [tilespmem:v4+s3+$0x0], $0xffff  }
0x18a: {  	v19 =	vadd.s32 v56, v59;
	v14 =	vld.idx.msk [tilespmem:v14+s3+$0x0], $0xffff  }
0x18b: {  	v15 =	vld.idx.msk [tilespmem:v15+s3+$0x0], $0xffff  }
0x18c: {  	v16 =	vld.idx.msk [tilespmem:v16+s3+$0x0], $0xffff  }
0x18d: {  	v0 =	vadd.f32 v8, v0;
	v1 =	vadd.f32 v9, v1;
	v60 =	vld.idx.msk [tilespmem:v17+s3+$0x0], $0xffff  }
0x18e: {  	v2 =	vadd.f32 v12, v2;
	v3 =	vadd.f32 v13, v3;
	v61 =	vld.idx.msk [tilespmem:v18+s3+$0x0], $0xffff  }
0x18f: {  	v0 =	vadd.f32 v6, v0;
	v1 =	vadd.f32 v7, v1;
	v62 =	vld.idx.msk [tilespmem:v19+s3+$0x0], $0xffff  }
0x190: {  	v2 =	vadd.f32 v10, v2;
	v3 =	vadd.f32 v11, v3  }
0x191: {  	v0 =	vadd.f32 v5, v0;
	v1 =	vadd.f32 v4, v1  }
0x192: {  	v2 =	vadd.f32 v14, v2;
	v3 =	vadd.f32 v15, v3  }
0x193: {  	v0 =	vadd.f32 v16, v0;
	v1 =	vadd.f32 v60, v1  }
0x194: {  	v2 =	vadd.f32 v61, v2;
	v3 =	vadd.f32 v62, v3;
	_ =	sdelay $0x1  }
0x195: {  	v0 =	vadd.f32 v1, v0;
	v63 =	vadd.f32 v3, v2;
	_ =	sdelay $0x1  }
0x196: {  	s19 =	sadd.s32 $0x1, s19;
	v0 =	vadd.f32 v63, v0  }
0x197: {  	p0 =	sne.s32 s19, s10  }
.Ltmp5:
0x198: {  	[tilespmem:$0xE000] =	vst v0;
	(pc) =	sbr.rel @p0 .LBB2_1-.Ltmp5, $4  }
0x199: {  	[hbm4b:s9+s3] =	stream.linear.scatter [tilespmem:s18], [sflag:$0x3], $0x10, $0x38;
	[tilespmem:$0xE080] =	vst v63  }
0x19a: {  	_ =	swait.ge [sflag:s15], $0x10  }
0x19b: {  	[sflag:s15] =	ssyncset.done $0x0  }
0x19c: {  	[sflag:s15] =	ssyncadd.s32 $0xFFFFFFF0  }
0x19d: {  	_ =	sfence.sel $0x180000  }
0x19e: {  	[bflag:$0x0] =	sbarrier.arrive $0xFFFF  }
0x19f: {  	p0 =	sne.s32 s0, $0x0;
	_ =	strace $0x90000047  }
0x1a0: {  	s0 =	sadd.s32 @!p0 $0x100000, s1;
	[bflag:$0x2] =	sbarrier.arrive $0xFFFF  }
0x1a1: {  	[sflag:s0] =	ssyncadd.tile.s32 @!p0 $0x1;
	_ =	shalt  }
.Lfunc_end2:
_tile_overlayer_lowered:
.L_overlay_start_2:
0x1a2: {  	(tag) =	ssettag $0x2  }
0x1a3: {  	s0 =	rddreg [dreg:$0x0];
	s2 =	stileid.u32  }
0x1a4: {  	s1 =	rddreg [dreg:$0x1];
	p0 =	sne.s32 s2, $0x0  }
0x1a5: {  	s3 =	rddreg [dreg:$0x2];
	[bflag:$0x3] =	sbarrier.arrive $0xFFFF;
	s2 =	simm.s32 @!p0 $0x1C03  }
0x1a6: {  	[timem:s3], [sflag:s2] =	dma.local @!p0 [hbm:s0], s1  }
0x1a7: {  	s0 =	simm.s32 @!p0 $0x3  }
0x1a8: {  	_ =	swait.ge @!p0 [sflag:s0], s1  }
0x1a9: {  	s1 =	ssub.s32 @!p0 $0x0, s1;
	[sflag:s0] =	ssyncset.done @!p0 $0x0  }
0x1aa: {  	[sflag:s0] =	ssyncadd.s32 @!p0 s1  }
0x1ab: {  	[bflag:$0x3] =	sbarrier.arrive $0xFFFF  }
0x1ac: {  	_ =	shalt  }

</sc_bundles>
